<compile_context>
chip_gen: v7x
topology: tpu7x:2x2x1
jax: 0.10.2.dev20260603
libtpu: 0.0.44.dev20260713+nightly
codegen_flags: <defaults>
</compile_context>

<pallas_src>
import functools

import jax
import jax.numpy as jnp
from jax import lax
from jax.experimental import pallas as pl
from jax.experimental.pallas import tpu as pltpu
from jax.experimental.pallas import tpu_sc as plsc

N_NODES = 10000
D = 128
N_PAD = 10240
STRIPE = N_PAD // 16
CHUNK = 128
N_EDGES = 320000
CHUNKS_PER_TILE = -(-N_EDGES // (32 * CHUNK))
E_TILE = CHUNKS_PER_TILE * CHUNK
E_PAD = E_TILE * 32
A_CUT = 105
B_CUT = 2 * CHUNKS_PER_TILE - A_CUT
MAXC = max(A_CUT, B_CUT)

_mesh = plsc.VectorSubcoreMesh(core_axis_name="c", subcore_axis_name="s")


@functools.partial(
    pl.kernel,
    out_type=jax.ShapeDtypeStruct((2, N_PAD, D), jnp.float32),
    mesh=_mesh,
    scratch_types=[
        pltpu.VMEM_SHARED((N_PAD, D), jnp.float32),
        pltpu.VMEM((CHUNKS_PER_TILE, CHUNK), jnp.int32),
        pltpu.VMEM((CHUNK, D), jnp.float32),
    ],
)
def _deg_kernel(dst_hbm, ones_hbm, zeros_hbm, out_hbm, deg_sh, dstv, onesv):
    c = lax.axis_index("c")
    s = lax.axis_index("s")
    row = pl.ds(s * STRIPE, STRIPE)
    pltpu.sync_copy(zeros_hbm.at[row], deg_sh.at[row])
    pltpu.sync_copy(dst_hbm.at[c, s], dstv)
    pltpu.sync_copy(ones_hbm, onesv)
    plsc.subcore_barrier()

    def body(j, carry):
        pltpu.sync_copy(onesv, deg_sh.at[dstv.at[j]], add=True)
        return carry

    lax.fori_loop(0, CHUNKS_PER_TILE, body, 0)
    plsc.subcore_barrier()
    pltpu.sync_copy(deg_sh.at[row], out_hbm.at[c, row])


@functools.partial(
    pl.kernel,
    out_type=jax.ShapeDtypeStruct((2, N_PAD, D), jnp.float32),
    mesh=_mesh,
    scratch_types=[
        pltpu.VMEM_SHARED((N_PAD, D), jnp.float32),
        pltpu.VMEM((MAXC, CHUNK), jnp.int32),
        pltpu.VMEM((MAXC, CHUNK), jnp.int32),
        pltpu.VMEM((CHUNK, D), jnp.float32),
        pltpu.SemaphoreType.DMA,
    ],
)
def _agg_kernel(g_hbm, src_hbm, dst_hbm, zeros_hbm, out_hbm,
                y_sh, srcv, dstv, rows, sem):
    c = lax.axis_index("c")
    s = lax.axis_index("s")
    row = pl.ds(s * STRIPE, STRIPE)

    @pl.when(c == 0)
    def _():
        pltpu.sync_copy(g_hbm.at[row], y_sh.at[row])

    @pl.when(c == 1)
    def _():
        pltpu.sync_copy(zeros_hbm.at[row], y_sh.at[row])

    pltpu.sync_copy(src_hbm.at[c, s], srcv)
    pltpu.sync_copy(dst_hbm.at[c, s], dstv)
    plsc.subcore_barrier()

    def body(j, carry):
        pltpu.async_copy(g_hbm.at[srcv.at[j]], rows, sem).wait()
        pltpu.sync_copy(rows, y_sh.at[dstv.at[j]], add=True)
        return carry

    lax.fori_loop(0, jnp.where(c == 0, A_CUT, B_CUT), body, 0)
    plsc.subcore_barrier()
    pltpu.sync_copy(y_sh.at[row], out_hbm.at[c, row])


def _dinv_block(d0_ref, d1_ref):
    deg = d0_ref[:, :1] + d1_ref[:, :1] + 1.0
    return lax.rsqrt(deg)


def _k1_body(x_ref, w_ref, d0_ref, d1_ref, g_ref):
    dinv = _dinv_block(d0_ref, d1_ref)
    g_ref[...] = dinv * jnp.dot(x_ref[...], w_ref[...],
                                preferred_element_type=jnp.float32)


def _k2_body(y_ref, d0_ref, d1_ref, b_ref, w_ref, g_ref):
    dinv = _dinv_block(d0_ref, d1_ref)
    h = jnp.maximum(dinv * (y_ref[0] + y_ref[1]) + b_ref[...], 0.0)
    g_ref[...] = dinv * jnp.dot(h, w_ref[...],
                                preferred_element_type=jnp.float32)


def _k3_body(y_ref, d0_ref, d1_ref, b_ref, o_ref):
    dinv = _dinv_block(d0_ref, d1_ref)
    o_ref[...] = dinv * (y_ref[0] + y_ref[1]) + b_ref[...]


_GRID = (N_PAD // STRIPE,)
_bs_rows = pl.BlockSpec((STRIPE, D), lambda i: (i, 0))
_bs_deg = pl.BlockSpec((STRIPE, D), lambda i: (i, 0))
_bs_w = pl.BlockSpec((D, D), lambda i: (0, 0))
_bs_b = pl.BlockSpec((1, D), lambda i: (0, 0))
_bs_y = pl.BlockSpec((2, STRIPE, D), lambda i: (0, i, 0))
_out_rows = jax.ShapeDtypeStruct((N_PAD, D), jnp.float32)

_k1 = pl.pallas_call(
    _k1_body, grid=_GRID,
    in_specs=[_bs_rows, _bs_w, _bs_deg, _bs_deg],
    out_specs=_bs_rows, out_shape=_out_rows)

_k2 = pl.pallas_call(
    _k2_body, grid=_GRID,
    in_specs=[_bs_y, _bs_deg, _bs_deg, _bs_b, _bs_w],
    out_specs=_bs_rows, out_shape=_out_rows)

_k3 = pl.pallas_call(
    _k3_body, grid=_GRID,
    in_specs=[_bs_y, _bs_deg, _bs_deg, _bs_b],
    out_specs=_bs_rows, out_shape=_out_rows)


def kernel(x, edge_index, W1, b1, W2, b2):
    src = edge_index[0].astype(jnp.int32)
    dst = edge_index[1].astype(jnp.int32)
    n_extra = E_PAD - N_EDGES
    pad_dst = N_NODES + (jnp.arange(n_extra, dtype=jnp.int32)
                         % (N_PAD - N_NODES))
    src_p = jnp.concatenate([src, jnp.zeros((n_extra,), jnp.int32)])
    dst_p = jnp.concatenate([dst, pad_dst])
    dst_r = dst_p.reshape(2, 16, CHUNKS_PER_TILE, CHUNK)

    def asym(flat, fill):
        split = 16 * A_CUT * CHUNK
        e0 = flat[:split].reshape(16, A_CUT, CHUNK)
        e0 = jnp.pad(e0, ((0, 0), (0, MAXC - A_CUT), (0, 0)),
                     constant_values=fill)
        e1 = flat[split:].reshape(16, B_CUT, CHUNK)
        e1 = jnp.pad(e1, ((0, 0), (0, MAXC - B_CUT), (0, 0)),
                     constant_values=fill)
        return jnp.stack([e0, e1])

    src_a = asym(src_p, 0)
    dst_a = asym(dst_p, N_NODES)

    x_pad = jnp.pad(x, ((0, N_PAD - N_NODES), (0, 0)))
    zeros128 = jnp.zeros((N_PAD, D), jnp.float32)
    ones_rows = jnp.ones((CHUNK, D), jnp.float32)
    b1r = b1.reshape(1, D)
    b2r = b2.reshape(1, D)

    deg_parts = _deg_kernel(dst_r, ones_rows, zeros128)
    d0, d1 = deg_parts[0], deg_parts[1]

    g1 = _k1(x_pad, W1, d0, d1)
    y1 = _agg_kernel(g1, src_a, dst_a, zeros128)
    g2 = _k2(y1, d0, d1, b1r, W2)
    y2 = _agg_kernel(g2, src_a, dst_a, zeros128)
    out_pad = _k3(y2, d0, d1, b2r)
    return out_pad[:N_NODES]

# --- scband reference (transcript-rebuilt; emitter-appended) ---
"""Pipeline reference for scband-gcn-55662776156306 (READ-ONLY COPY).

The authoritative reference and input builder live on the scoring server;
editing this copy changes nothing except your own understanding.
"""

import jax, jax.numpy as jnp
import numpy as np

N_NODES = 10000
N_EDGES = 320000
D_IN = 128
D_HID = 128
D_OUT = 128


def glorot(key, shape):
    fan_in, fan_out = shape[0], shape[1]
    limit = (6.0 / (fan_in + fan_out)) ** 0.5
    return jax.random.uniform(key, shape, dtype=jnp.float32, minval=-limit, maxval=limit)


def setup_inputs(seed: int = 0) -> dict:
    key = jax.random.key(seed)
    k1, k2, k3, k4 = jax.random.split(key, 4)
    x = jax.random.normal(k1, (N_NODES, D_IN), dtype=jnp.float32)
    edge_index = jax.random.randint(k2, (2, N_EDGES), 0, N_NODES, dtype=jnp.int64 if jax.config.jax_enable_x64 else jnp.int32)
    W1 = glorot(k3, (D_IN, D_HID))
    b1 = jnp.zeros((D_HID,), dtype=jnp.float32)
    W2 = glorot(k4, (D_HID, D_OUT))
    b2 = jnp.zeros((D_OUT,), dtype=jnp.float32)
    return {"x": x, "edge_index": edge_index, "W1": W1, "b1": b1, "W2": W2, "b2": b2}


def _gcn_conv(x, src, dst, W, b, n_nodes):
    # PyG GCNConv: add self-loops, symmetric normalization, linear transform,
    # scatter-add aggregation at dst, plus bias.
    h = x @ W
    deg = jnp.zeros((n_nodes,), dtype=jnp.float32).at[dst].add(1.0)
    deg_inv_sqrt = jnp.where(deg > 0, deg ** -0.5, 0.0)
    norm = deg_inv_sqrt[src] * deg_inv_sqrt[dst]
    msg = h[src] * norm[:, None]
    out = jnp.zeros((n_nodes, W.shape[1]), dtype=jnp.float32).at[dst].add(msg)
    return out + b


def reference(x, edge_index, W1, b1, W2, b2):
    n_nodes = x.shape[0]
    loop = jnp.arange(n_nodes, dtype=edge_index.dtype)
    src = jnp.concatenate([edge_index[0], loop])
    dst = jnp.concatenate([edge_index[1], loop])
    # Layer 1 + ReLU (dropout is identity in eval mode)
    h = _gcn_conv(x, src, dst, W1, b1, n_nodes)
    h = jax.nn.relu(h)
    # Layer 2 (no activation); batch is None so no global pooling
    out = _gcn_conv(h, src, dst, W2, b2, n_nodes)
    return out

if __name__ == "__main__":
    import jax
    _d = setup_inputs()
    print(jax.jit(kernel)(*tuple(_d.values())))

</pallas_src>

<mosaic_0001>
#map = affine_map<(d0, d1) -> (0, 0, 0, 0)>
#map1 = affine_map<(d0, d1) -> (0, 0)>
#map2 = affine_map<(d0, d1) -> (0, 0, 0)>
module attributes {stable_mosaic.version = 14 : i64} {
  func.func @_deg_kernel(%arg0: i32, %arg1: i32, %arg2: memref<2x16x79x128xi32, #tpu.memory_space<hbm>>, %arg3: memref<128x128xf32, #tpu.memory_space<hbm>>, %arg4: memref<10240x128xf32, #tpu.memory_space<hbm>>, %arg5: memref<2x10240x128xf32, #tpu.memory_space<hbm>>, %arg6: memref<10240x128xf32, #tpu.memory_space<vmem_shared>>, %arg7: memref<79x128xi32, #tpu.memory_space<vmem>>, %arg8: memref<128x128xf32, #tpu.memory_space<vmem>>) attributes {dimension_semantics = [#tpu.dimension_semantics<core_parallel>, #tpu.dimension_semantics<subcore_parallel>], iteration_bounds = array<i64: 2, 16>, scalar_prefetch = 0 : i64, scratch_operands = 3 : i64, tpu.core_type = #tpu.core_type<sc_vector_subcore>, window_params = [{transform_indices = #map}, {transform_indices = #map1}, {transform_indices = #map1}, {transform_indices = #map2}]} {
    %mul3A = arith.constant 640 : i32
    %mul3A_0 = arith.muli %arg1, %mul3A : i32
    "tpu.region"() ({
      %run_scoped3A = tpu.sem_alloc : memref<!tpu.dma_semaphore, #tpu.memory_space<semaphore_mem>>
      %dma_start3A = arith.constant 0 : i32
      %dma_start3A_7 = tpu.memref_slice %arg6[%mul3A_0, %dma_start3A] : memref<10240x128xf32, #tpu.memory_space<vmem_shared>> -> memref<640x128xf32, #tpu.memory_space<vmem_shared>>
      %dma_start3A_8 = arith.constant 0 : i32
      %dma_start3A_9 = tpu.memref_slice %arg4[%mul3A_0, %dma_start3A_8] : memref<10240x128xf32, #tpu.memory_space<hbm>> -> memref<640x128xf32, #tpu.memory_space<hbm>>
      tpu.enqueue_dma source(%dma_start3A_9 : memref<640x128xf32, #tpu.memory_space<hbm>>) target(%dma_start3A_7 : memref<640x128xf32, #tpu.memory_space<vmem_shared>>) target_semaphore(%run_scoped3A : memref<!tpu.dma_semaphore, #tpu.memory_space<semaphore_mem>>)
      %dma_wait3A = arith.constant 0 : i32
      %dma_wait3A_10 = tpu.memref_slice %arg6[%mul3A_0, %dma_wait3A] : memref<10240x128xf32, #tpu.memory_space<vmem_shared>> -> memref<640x128xf32, #tpu.memory_space<vmem_shared>>
      %dma_wait3A_11 = arith.constant 0 : i32
      %dma_wait3A_12 = tpu.memref_slice %arg4[%mul3A_0, %dma_wait3A_11] : memref<10240x128xf32, #tpu.memory_space<hbm>> -> memref<640x128xf32, #tpu.memory_space<hbm>>
      tpu.wait_dma2 semaphore(%run_scoped3A : memref<!tpu.dma_semaphore, #tpu.memory_space<semaphore_mem>>) src(%dma_wait3A_12 : memref<640x128xf32, #tpu.memory_space<hbm>>) dst(%dma_wait3A_10 : memref<640x128xf32, #tpu.memory_space<vmem_shared>>)
      tpu.yield
    }) : () -> ()
    "tpu.region"() ({
      %run_scoped3A = tpu.sem_alloc : memref<!tpu.dma_semaphore, #tpu.memory_space<semaphore_mem>>
      %dma_start3A = arith.constant 0 : i32
      %dma_start3A_7 = arith.constant 0 : i32
      %dma_start3A_8 = tpu.memref_slice %arg2[%arg0, %arg1, %dma_start3A, %dma_start3A_7] : memref<2x16x79x128xi32, #tpu.memory_space<hbm>> -> memref<1x1x79x128xi32, #tpu.memory_space<hbm>>
      %dma_start3A_9 = tpu.memref_squeeze %dma_start3A_8 : memref<1x1x79x128xi32, #tpu.memory_space<hbm>> -> memref<79x128xi32, #tpu.memory_space<hbm>>
      %dma_start3A_10 = arith.constant 0 : i32
      %dma_start3A_11 = arith.constant 0 : i32
      %dma_start3A_12 = tpu.memref_slice %arg2[%arg0, %arg1, %dma_start3A_10, %dma_start3A_11] : memref<2x16x79x128xi32, #tpu.memory_space<hbm>> -> memref<1x1x79x128xi32, #tpu.memory_space<hbm>>
      %dma_start3A_13 = tpu.memref_squeeze %dma_start3A_12 : memref<1x1x79x128xi32, #tpu.memory_space<hbm>> -> memref<79x128xi32, #tpu.memory_space<hbm>>
      tpu.enqueue_dma source(%dma_start3A_13 : memref<79x128xi32, #tpu.memory_space<hbm>>) target(%arg7 : memref<79x128xi32, #tpu.memory_space<vmem>>) target_semaphore(%run_scoped3A : memref<!tpu.dma_semaphore, #tpu.memory_space<semaphore_mem>>)
      %dma_wait3A = arith.constant 0 : i32
      %dma_wait3A_14 = arith.constant 0 : i32
      %dma_wait3A_15 = tpu.memref_slice %arg2[%arg0, %arg1, %dma_wait3A, %dma_wait3A_14] : memref<2x16x79x128xi32, #tpu.memory_space<hbm>> -> memref<1x1x79x128xi32, #tpu.memory_space<hbm>>
      %dma_wait3A_16 = tpu.memref_squeeze %dma_wait3A_15 : memref<1x1x79x128xi32, #tpu.memory_space<hbm>> -> memref<79x128xi32, #tpu.memory_space<hbm>>
      %dma_wait3A_17 = arith.constant 0 : i32
      %dma_wait3A_18 = arith.constant 0 : i32
      %dma_wait3A_19 = tpu.memref_slice %arg2[%arg0, %arg1, %dma_wait3A_17, %dma_wait3A_18] : memref<2x16x79x128xi32, #tpu.memory_space<hbm>> -> memref<1x1x79x128xi32, #tpu.memory_space<hbm>>
      %dma_wait3A_20 = tpu.memref_squeeze %dma_wait3A_19 : memref<1x1x79x128xi32, #tpu.memory_space<hbm>> -> memref<79x128xi32, #tpu.memory_space<hbm>>
      tpu.wait_dma2 semaphore(%run_scoped3A : memref<!tpu.dma_semaphore, #tpu.memory_space<semaphore_mem>>) src(%dma_wait3A_20 : memref<79x128xi32, #tpu.memory_space<hbm>>) dst(%arg7 : memref<79x128xi32, #tpu.memory_space<vmem>>)
      tpu.yield
    }) : () -> ()
    "tpu.region"() ({
      %run_scoped3A = tpu.sem_alloc : memref<!tpu.dma_semaphore, #tpu.memory_space<semaphore_mem>>
      tpu.enqueue_dma source(%arg3 : memref<128x128xf32, #tpu.memory_space<hbm>>) target(%arg8 : memref<128x128xf32, #tpu.memory_space<vmem>>) target_semaphore(%run_scoped3A : memref<!tpu.dma_semaphore, #tpu.memory_space<semaphore_mem>>)
      tpu.wait_dma2 semaphore(%run_scoped3A : memref<!tpu.dma_semaphore, #tpu.memory_space<semaphore_mem>>) src(%arg3 : memref<128x128xf32, #tpu.memory_space<hbm>>) dst(%arg8 : memref<128x128xf32, #tpu.memory_space<vmem>>)
      tpu.yield
    }) : () -> ()
    %barrier3A = arith.constant 0 : index
    tpu.barrier barrier_id(%barrier3A)
    %scan3A = arith.constant 0 : i32
    %scan3A_1 = arith.constant 0 : i32
    %scan3A_2 = arith.constant 79 : i32
    %scan3A_3 = arith.addi %scan3A_1, %scan3A_2 : i32
    %scan3A_4 = arith.constant 1 : i32
    scf.for %scan3A_7 = %scan3A_1 to %scan3A_3 step %scan3A_4  : i32 {
      "tpu.region"() ({
        %run_scoped3A = tpu.sem_alloc : memref<!tpu.dma_semaphore, #tpu.memory_space<semaphore_mem>>
        %dma_start3A = arith.constant 0 : i32
        %dma_start3A_8 = tpu.memref_slice %arg7[%scan3A_7, %dma_start3A] : memref<79x128xi32, #tpu.memory_space<vmem>> -> memref<1x128xi32, #tpu.memory_space<vmem>>
        %dma_start3A_9 = tpu.memref_squeeze %dma_start3A_8 : memref<1x128xi32, #tpu.memory_space<vmem>> -> memref<128xi32, #tpu.memory_space<vmem>>
        %dma_start3A_10 = arith.constant 0 : i32
        %dma_start3A_11 = arith.constant 0 : i32
        %dma_start3A_12 = tpu.memref_slice %arg6[%dma_start3A_10, %dma_start3A_11] : memref<10240x128xf32, #tpu.memory_space<vmem_shared>> -> memref<10240x128xf32, #tpu.memory_space<vmem_shared>>
        tpu.enqueue_indirect_dma source(%arg8 : memref<128x128xf32, #tpu.memory_space<vmem>>) target(%dma_start3A_12 : memref<10240x128xf32, #tpu.memory_space<vmem_shared>>) offsets(%dma_start3A_9 : memref<128xi32, #tpu.memory_space<vmem>>) semaphore(%run_scoped3A : memref<!tpu.dma_semaphore, #tpu.memory_space<semaphore_mem>>) {add = true}
        %dma_wait3A = arith.constant 0 : i32
        %dma_wait3A_13 = tpu.memref_slice %arg7[%scan3A_7, %dma_wait3A] : memref<79x128xi32, #tpu.memory_space<vmem>> -> memref<1x128xi32, #tpu.memory_space<vmem>>
        %dma_wait3A_14 = tpu.memref_squeeze %dma_wait3A_13 : memref<1x128xi32, #tpu.memory_space<vmem>> -> memref<128xi32, #tpu.memory_space<vmem>>
        %dma_wait3A_15 = arith.constant 0 : i32
        %dma_wait3A_16 = arith.constant 0 : i32
        %dma_wait3A_17 = tpu.memref_slice %arg6[%dma_wait3A_15, %dma_wait3A_16] : memref<10240x128xf32, #tpu.memory_space<vmem_shared>> -> memref<10240x128xf32, #tpu.memory_space<vmem_shared>>
        tpu.wait_indirect_dma semaphore(%run_scoped3A : memref<!tpu.dma_semaphore, #tpu.memory_space<semaphore_mem>>) src(%arg8 : memref<128x128xf32, #tpu.memory_space<vmem>>) dst(%dma_wait3A_17 : memref<10240x128xf32, #tpu.memory_space<vmem_shared>>)
        tpu.yield
      }) : () -> ()
    }
    %scan3A_5 = arith.constant 79 : i32
    %barrier3A_6 = arith.constant 0 : index
    tpu.barrier barrier_id(%barrier3A_6)
    "tpu.region"() ({
      %run_scoped3A = tpu.sem_alloc : memref<!tpu.dma_semaphore, #tpu.memory_space<semaphore_mem>>
      %dma_start3A = arith.constant 0 : i32
      %dma_start3A_7 = tpu.memref_slice %arg5[%arg0, %mul3A_0, %dma_start3A] : memref<2x10240x128xf32, #tpu.memory_space<hbm>> -> memref<1x640x128xf32, #tpu.memory_space<hbm>>
      %dma_start3A_8 = tpu.memref_squeeze %dma_start3A_7 : memref<1x640x128xf32, #tpu.memory_space<hbm>> -> memref<640x128xf32, #tpu.memory_space<hbm>>
      %dma_start3A_9 = arith.constant 0 : i32
      %dma_start3A_10 = tpu.memref_slice %arg6[%mul3A_0, %dma_start3A_9] : memref<10240x128xf32, #tpu.memory_space<vmem_shared>> -> memref<640x128xf32, #tpu.memory_space<vmem_shared>>
      tpu.enqueue_dma source(%dma_start3A_10 : memref<640x128xf32, #tpu.memory_space<vmem_shared>>) target(%dma_start3A_8 : memref<640x128xf32, #tpu.memory_space<hbm>>) target_semaphore(%run_scoped3A : memref<!tpu.dma_semaphore, #tpu.memory_space<semaphore_mem>>)
      %dma_wait3A = arith.constant 0 : i32
      %dma_wait3A_11 = tpu.memref_slice %arg5[%arg0, %mul3A_0, %dma_wait3A] : memref<2x10240x128xf32, #tpu.memory_space<hbm>> -> memref<1x640x128xf32, #tpu.memory_space<hbm>>
      %dma_wait3A_12 = tpu.memref_squeeze %dma_wait3A_11 : memref<1x640x128xf32, #tpu.memory_space<hbm>> -> memref<640x128xf32, #tpu.memory_space<hbm>>
      %dma_wait3A_13 = arith.constant 0 : i32
      %dma_wait3A_14 = tpu.memref_slice %arg6[%mul3A_0, %dma_wait3A_13] : memref<10240x128xf32, #tpu.memory_space<vmem_shared>> -> memref<640x128xf32, #tpu.memory_space<vmem_shared>>
      tpu.wait_dma2 semaphore(%run_scoped3A : memref<!tpu.dma_semaphore, #tpu.memory_space<semaphore_mem>>) src(%dma_wait3A_14 : memref<640x128xf32, #tpu.memory_space<vmem_shared>>) dst(%dma_wait3A_12 : memref<640x128xf32, #tpu.memory_space<hbm>>)
      tpu.yield
    }) : () -> ()
    return
  }
}

#map = affine_map<(d0, d1) -> (0, 0)>
#map1 = affine_map<(d0, d1) -> (0, 0, 0, 0)>
#map2 = affine_map<(d0, d1) -> (0, 0, 0)>
module attributes {stable_mosaic.version = 14 : i64} {
  func.func @_agg_kernel(%arg0: i32, %arg1: i32, %arg2: memref<10240x128xf32, #tpu.memory_space<hbm>>, %arg3: memref<2x16x105x128xi32, #tpu.memory_space<hbm>>, %arg4: memref<2x16x105x128xi32, #tpu.memory_space<hbm>>, %arg5: memref<10240x128xf32, #tpu.memory_space<hbm>>, %arg6: memref<2x10240x128xf32, #tpu.memory_space<hbm>>, %arg7: memref<10240x128xf32, #tpu.memory_space<vmem_shared>>, %arg8: memref<105x128xi32, #tpu.memory_space<vmem>>, %arg9: memref<105x128xi32, #tpu.memory_space<vmem>>, %arg10: memref<128x128xf32, #tpu.memory_space<vmem>>, %arg11: memref<!tpu.dma_semaphore, #tpu.memory_space<semaphore_mem>>) attributes {dimension_semantics = [#tpu.dimension_semantics<core_parallel>, #tpu.dimension_semantics<subcore_parallel>], iteration_bounds = array<i64: 2, 16>, scalar_prefetch = 0 : i64, scratch_operands = 5 : i64, tpu.core_type = #tpu.core_type<sc_vector_subcore>, window_params = [{transform_indices = #map}, {transform_indices = #map1}, {transform_indices = #map1}, {transform_indices = #map}, {transform_indices = #map2}]} {
    %mul3A = arith.constant 640 : i32
    %mul3A_0 = arith.muli %arg1, %mul3A : i32
    %eq3A = arith.constant 0 : i32
    %eq3A_1 = arith.cmpi eq, %arg0, %eq3A : i32
    %convert_element_type3A = arith.extui %eq3A_1 : i1 to i32
    %cond3A = arith.constant 0 : i32
    %cond3A_2 = arith.cmpi ne, %convert_element_type3A, %cond3A : i32
    scf.if %cond3A_2 {
      "tpu.region"() ({
        %run_scoped3A = tpu.sem_alloc : memref<!tpu.dma_semaphore, #tpu.memory_space<semaphore_mem>>
        %dma_start3A = arith.constant 0 : i32
        %dma_start3A_21 = tpu.memref_slice %arg7[%mul3A_0, %dma_start3A] : memref<10240x128xf32, #tpu.memory_space<vmem_shared>> -> memref<640x128xf32, #tpu.memory_space<vmem_shared>>
        %dma_start3A_22 = arith.constant 0 : i32
        %dma_start3A_23 = tpu.memref_slice %arg2[%mul3A_0, %dma_start3A_22] : memref<10240x128xf32, #tpu.memory_space<hbm>> -> memref<640x128xf32, #tpu.memory_space<hbm>>
        tpu.enqueue_dma source(%dma_start3A_23 : memref<640x128xf32, #tpu.memory_space<hbm>>) target(%dma_start3A_21 : memref<640x128xf32, #tpu.memory_space<vmem_shared>>) target_semaphore(%run_scoped3A : memref<!tpu.dma_semaphore, #tpu.memory_space<semaphore_mem>>)
        %dma_wait3A = arith.constant 0 : i32
        %dma_wait3A_24 = tpu.memref_slice %arg7[%mul3A_0, %dma_wait3A] : memref<10240x128xf32, #tpu.memory_space<vmem_shared>> -> memref<640x128xf32, #tpu.memory_space<vmem_shared>>
        %dma_wait3A_25 = arith.constant 0 : i32
        %dma_wait3A_26 = tpu.memref_slice %arg2[%mul3A_0, %dma_wait3A_25] : memref<10240x128xf32, #tpu.memory_space<hbm>> -> memref<640x128xf32, #tpu.memory_space<hbm>>
        tpu.wait_dma2 semaphore(%run_scoped3A : memref<!tpu.dma_semaphore, #tpu.memory_space<semaphore_mem>>) src(%dma_wait3A_26 : memref<640x128xf32, #tpu.memory_space<hbm>>) dst(%dma_wait3A_24 : memref<640x128xf32, #tpu.memory_space<vmem_shared>>)
        tpu.yield
      }) : () -> ()
    } else {
    }
    %eq3A_3 = arith.constant 1 : i32
    %eq3A_4 = arith.cmpi eq, %arg0, %eq3A_3 : i32
    %convert_element_type3A_5 = arith.extui %eq3A_4 : i1 to i32
    %cond3A_6 = arith.constant 0 : i32
    %cond3A_7 = arith.cmpi ne, %convert_element_type3A_5, %cond3A_6 : i32
    scf.if %cond3A_7 {
      "tpu.region"() ({
        %run_scoped3A = tpu.sem_alloc : memref<!tpu.dma_semaphore, #tpu.memory_space<semaphore_mem>>
        %dma_start3A = arith.constant 0 : i32
        %dma_start3A_21 = tpu.memref_slice %arg7[%mul3A_0, %dma_start3A] : memref<10240x128xf32, #tpu.memory_space<vmem_shared>> -> memref<640x128xf32, #tpu.memory_space<vmem_shared>>
        %dma_start3A_22 = arith.constant 0 : i32
        %dma_start3A_23 = tpu.memref_slice %arg5[%mul3A_0, %dma_start3A_22] : memref<10240x128xf32, #tpu.memory_space<hbm>> -> memref<640x128xf32, #tpu.memory_space<hbm>>
        tpu.enqueue_dma source(%dma_start3A_23 : memref<640x128xf32, #tpu.memory_space<hbm>>) target(%dma_start3A_21 : memref<640x128xf32, #tpu.memory_space<vmem_shared>>) target_semaphore(%run_scoped3A : memref<!tpu.dma_semaphore, #tpu.memory_space<semaphore_mem>>)
        %dma_wait3A = arith.constant 0 : i32
        %dma_wait3A_24 = tpu.memref_slice %arg7[%mul3A_0, %dma_wait3A] : memref<10240x128xf32, #tpu.memory_space<vmem_shared>> -> memref<640x128xf32, #tpu.memory_space<vmem_shared>>
        %dma_wait3A_25 = arith.constant 0 : i32
        %dma_wait3A_26 = tpu.memref_slice %arg5[%mul3A_0, %dma_wait3A_25] : memref<10240x128xf32, #tpu.memory_space<hbm>> -> memref<640x128xf32, #tpu.memory_space<hbm>>
        tpu.wait_dma2 semaphore(%run_scoped3A : memref<!tpu.dma_semaphore, #tpu.memory_space<semaphore_mem>>) src(%dma_wait3A_26 : memref<640x128xf32, #tpu.memory_space<hbm>>) dst(%dma_wait3A_24 : memref<640x128xf32, #tpu.memory_space<vmem_shared>>)
        tpu.yield
      }) : () -> ()
    } else {
    }
    "tpu.region"() ({
      %run_scoped3A = tpu.sem_alloc : memref<!tpu.dma_semaphore, #tpu.memory_space<semaphore_mem>>
      %dma_start3A = arith.constant 0 : i32
      %dma_start3A_21 = arith.constant 0 : i32
      %dma_start3A_22 = tpu.memref_slice %arg3[%arg0, %arg1, %dma_start3A, %dma_start3A_21] : memref<2x16x105x128xi32, #tpu.memory_space<hbm>> -> memref<1x1x105x128xi32, #tpu.memory_space<hbm>>
      %dma_start3A_23 = tpu.memref_squeeze %dma_start3A_22 : memref<1x1x105x128xi32, #tpu.memory_space<hbm>> -> memref<105x128xi32, #tpu.memory_space<hbm>>
      %dma_start3A_24 = arith.constant 0 : i32
      %dma_start3A_25 = arith.constant 0 : i32
      %dma_start3A_26 = tpu.memref_slice %arg3[%arg0, %arg1, %dma_start3A_24, %dma_start3A_25] : memref<2x16x105x128xi32, #tpu.memory_space<hbm>> -> memref<1x1x105x128xi32, #tpu.memory_space<hbm>>
      %dma_start3A_27 = tpu.memref_squeeze %dma_start3A_26 : memref<1x1x105x128xi32, #tpu.memory_space<hbm>> -> memref<105x128xi32, #tpu.memory_space<hbm>>
      tpu.enqueue_dma source(%dma_start3A_27 : memref<105x128xi32, #tpu.memory_space<hbm>>) target(%arg8 : memref<105x128xi32, #tpu.memory_space<vmem>>) target_semaphore(%run_scoped3A : memref<!tpu.dma_semaphore, #tpu.memory_space<semaphore_mem>>)
      %dma_wait3A = arith.constant 0 : i32
      %dma_wait3A_28 = arith.constant 0 : i32
      %dma_wait3A_29 = tpu.memref_slice %arg3[%arg0, %arg1, %dma_wait3A, %dma_wait3A_28] : memref<2x16x105x128xi32, #tpu.memory_space<hbm>> -> memref<1x1x105x128xi32, #tpu.memory_space<hbm>>
      %dma_wait3A_30 = tpu.memref_squeeze %dma_wait3A_29 : memref<1x1x105x128xi32, #tpu.memory_space<hbm>> -> memref<105x128xi32, #tpu.memory_space<hbm>>
      %dma_wait3A_31 = arith.constant 0 : i32
      %dma_wait3A_32 = arith.constant 0 : i32
      %dma_wait3A_33 = tpu.memref_slice %arg3[%arg0, %arg1, %dma_wait3A_31, %dma_wait3A_32] : memref<2x16x105x128xi32, #tpu.memory_space<hbm>> -> memref<1x1x105x128xi32, #tpu.memory_space<hbm>>
      %dma_wait3A_34 = tpu.memref_squeeze %dma_wait3A_33 : memref<1x1x105x128xi32, #tpu.memory_space<hbm>> -> memref<105x128xi32, #tpu.memory_space<hbm>>
      tpu.wait_dma2 semaphore(%run_scoped3A : memref<!tpu.dma_semaphore, #tpu.memory_space<semaphore_mem>>) src(%dma_wait3A_34 : memref<105x128xi32, #tpu.memory_space<hbm>>) dst(%arg8 : memref<105x128xi32, #tpu.memory_space<vmem>>)
      tpu.yield
    }) : () -> ()
    "tpu.region"() ({
      %run_scoped3A = tpu.sem_alloc : memref<!tpu.dma_semaphore, #tpu.memory_space<semaphore_mem>>
      %dma_start3A = arith.constant 0 : i32
      %dma_start3A_21 = arith.constant 0 : i32
      %dma_start3A_22 = tpu.memref_slice %arg4[%arg0, %arg1, %dma_start3A, %dma_start3A_21] : memref<2x16x105x128xi32, #tpu.memory_space<hbm>> -> memref<1x1x105x128xi32, #tpu.memory_space<hbm>>
      %dma_start3A_23 = tpu.memref_squeeze %dma_start3A_22 : memref<1x1x105x128xi32, #tpu.memory_space<hbm>> -> memref<105x128xi32, #tpu.memory_space<hbm>>
      %dma_start3A_24 = arith.constant 0 : i32
      %dma_start3A_25 = arith.constant 0 : i32
      %dma_start3A_26 = tpu.memref_slice %arg4[%arg0, %arg1, %dma_start3A_24, %dma_start3A_25] : memref<2x16x105x128xi32, #tpu.memory_space<hbm>> -> memref<1x1x105x128xi32, #tpu.memory_space<hbm>>
      %dma_start3A_27 = tpu.memref_squeeze %dma_start3A_26 : memref<1x1x105x128xi32, #tpu.memory_space<hbm>> -> memref<105x128xi32, #tpu.memory_space<hbm>>
      tpu.enqueue_dma source(%dma_start3A_27 : memref<105x128xi32, #tpu.memory_space<hbm>>) target(%arg9 : memref<105x128xi32, #tpu.memory_space<vmem>>) target_semaphore(%run_scoped3A : memref<!tpu.dma_semaphore, #tpu.memory_space<semaphore_mem>>)
      %dma_wait3A = arith.constant 0 : i32
      %dma_wait3A_28 = arith.constant 0 : i32
      %dma_wait3A_29 = tpu.memref_slice %arg4[%arg0, %arg1, %dma_wait3A, %dma_wait3A_28] : memref<2x16x105x128xi32, #tpu.memory_space<hbm>> -> memref<1x1x105x128xi32, #tpu.memory_space<hbm>>
      %dma_wait3A_30 = tpu.memref_squeeze %dma_wait3A_29 : memref<1x1x105x128xi32, #tpu.memory_space<hbm>> -> memref<105x128xi32, #tpu.memory_space<hbm>>
      %dma_wait3A_31 = arith.constant 0 : i32
      %dma_wait3A_32 = arith.constant 0 : i32
      %dma_wait3A_33 = tpu.memref_slice %arg4[%arg0, %arg1, %dma_wait3A_31, %dma_wait3A_32] : memref<2x16x105x128xi32, #tpu.memory_space<hbm>> -> memref<1x1x105x128xi32, #tpu.memory_space<hbm>>
      %dma_wait3A_34 = tpu.memref_squeeze %dma_wait3A_33 : memref<1x1x105x128xi32, #tpu.memory_space<hbm>> -> memref<105x128xi32, #tpu.memory_space<hbm>>
      tpu.wait_dma2 semaphore(%run_scoped3A : memref<!tpu.dma_semaphore, #tpu.memory_space<semaphore_mem>>) src(%dma_wait3A_34 : memref<105x128xi32, #tpu.memory_space<hbm>>) dst(%arg9 : memref<105x128xi32, #tpu.memory_space<vmem>>)
      tpu.yield
    }) : () -> ()
    %barrier3A = arith.constant 0 : index
    tpu.barrier barrier_id(%barrier3A)
    %eq3A_8 = arith.constant 0 : i32
    %eq3A_9 = arith.cmpi eq, %arg0, %eq3A_8 : i32
    %jit3A = arith.constant 105 : i32
    %jit3A_10 = arith.constant 53 : i32
    %select_n3A = arith.select %eq3A_9, %jit3A, %jit3A_10 : i32
    %while3A = arith.constant 0 : i32
    %while3A_11 = arith.constant 0 : i32
    %while3A_12 = arith.subi %select_n3A, %while3A_11 : i32
    %while3A_13 = arith.addi %while3A_11, %while3A_12 : i32
    %while3A_14 = arith.constant 1 : i32
    %while3A_15 = arith.divsi %while3A_12, %while3A_14 : i32
    %while3A_16 = arith.muli %while3A_15, %while3A_14 : i32
    %while3A_17 = arith.addi %while3A_11, %while3A_16 : i32
    %while3A_18 = arith.constant 1 : i32
    scf.for %while3A_21 = %while3A_11 to %while3A_17 step %while3A_18  : i32 {
      %dma_start3A = arith.constant 0 : i32
      %dma_start3A_22 = tpu.memref_slice %arg8[%while3A_21, %dma_start3A] : memref<105x128xi32, #tpu.memory_space<vmem>> -> memref<1x128xi32, #tpu.memory_space<vmem>>
      %dma_start3A_23 = tpu.memref_squeeze %dma_start3A_22 : memref<1x128xi32, #tpu.memory_space<vmem>> -> memref<128xi32, #tpu.memory_space<vmem>>
      %dma_start3A_24 = arith.constant 0 : i32
      %dma_start3A_25 = arith.constant 0 : i32
      %dma_start3A_26 = tpu.memref_slice %arg2[%dma_start3A_24, %dma_start3A_25] : memref<10240x128xf32, #tpu.memory_space<hbm>> -> memref<10240x128xf32, #tpu.memory_space<hbm>>
      tpu.enqueue_indirect_dma source(%dma_start3A_26 : memref<10240x128xf32, #tpu.memory_space<hbm>>) target(%arg10 : memref<128x128xf32, #tpu.memory_space<vmem>>) offsets(%dma_start3A_23 : memref<128xi32, #tpu.memory_space<vmem>>) semaphore(%arg11 : memref<!tpu.dma_semaphore, #tpu.memory_space<semaphore_mem>>)
      %dma_wait3A = arith.constant 0 : i32
      %dma_wait3A_27 = tpu.memref_slice %arg8[%while3A_21, %dma_wait3A] : memref<105x128xi32, #tpu.memory_space<vmem>> -> memref<1x128xi32, #tpu.memory_space<vmem>>
      %dma_wait3A_28 = tpu.memref_squeeze %dma_wait3A_27 : memref<1x128xi32, #tpu.memory_space<vmem>> -> memref<128xi32, #tpu.memory_space<vmem>>
      %dma_wait3A_29 = arith.constant 0 : i32
      %dma_wait3A_30 = arith.constant 0 : i32
      %dma_wait3A_31 = tpu.memref_slice %arg2[%dma_wait3A_29, %dma_wait3A_30] : memref<10240x128xf32, #tpu.memory_space<hbm>> -> memref<10240x128xf32, #tpu.memory_space<hbm>>
      tpu.wait_indirect_dma semaphore(%arg11 : memref<!tpu.dma_semaphore, #tpu.memory_space<semaphore_mem>>) src(%dma_wait3A_31 : memref<10240x128xf32, #tpu.memory_space<hbm>>) dst(%arg10 : memref<128x128xf32, #tpu.memory_space<vmem>>)
      "tpu.region"() ({
        %run_scoped3A = tpu.sem_alloc : memref<!tpu.dma_semaphore, #tpu.memory_space<semaphore_mem>>
        %dma_start3A_32 = arith.constant 0 : i32
        %dma_start3A_33 = tpu.memref_slice %arg9[%while3A_21, %dma_start3A_32] : memref<105x128xi32, #tpu.memory_space<vmem>> -> memref<1x128xi32, #tpu.memory_space<vmem>>
        %dma_start3A_34 = tpu.memref_squeeze %dma_start3A_33 : memref<1x128xi32, #tpu.memory_space<vmem>> -> memref<128xi32, #tpu.memory_space<vmem>>
        %dma_start3A_35 = arith.constant 0 : i32
        %dma_start3A_36 = arith.constant 0 : i32
        %dma_start3A_37 = tpu.memref_slice %arg7[%dma_start3A_35, %dma_start3A_36] : memref<10240x128xf32, #tpu.memory_space<vmem_shared>> -> memref<10240x128xf32, #tpu.memory_space<vmem_shared>>
        tpu.enqueue_indirect_dma source(%arg10 : memref<128x128xf32, #tpu.memory_space<vmem>>) target(%dma_start3A_37 : memref<10240x128xf32, #tpu.memory_space<vmem_shared>>) offsets(%dma_start3A_34 : memref<128xi32, #tpu.memory_space<vmem>>) semaphore(%run_scoped3A : memref<!tpu.dma_semaphore, #tpu.memory_space<semaphore_mem>>) {add = true}
        %dma_wait3A_38 = arith.constant 0 : i32
        %dma_wait3A_39 = tpu.memref_slice %arg9[%while3A_21, %dma_wait3A_38] : memref<105x128xi32, #tpu.memory_space<vmem>> -> memref<1x128xi32, #tpu.memory_space<vmem>>
        %dma_wait3A_40 = tpu.memref_squeeze %dma_wait3A_39 : memref<1x128xi32, #tpu.memory_space<vmem>> -> memref<128xi32, #tpu.memory_space<vmem>>
        %dma_wait3A_41 = arith.constant 0 : i32
        %dma_wait3A_42 = arith.constant 0 : i32
        %dma_wait3A_43 = tpu.memref_slice %arg7[%dma_wait3A_41, %dma_wait3A_42] : memref<10240x128xf32, #tpu.memory_space<vmem_shared>> -> memref<10240x128xf32, #tpu.memory_space<vmem_shared>>
        tpu.wait_indirect_dma semaphore(%run_scoped3A : memref<!tpu.dma_semaphore, #tpu.memory_space<semaphore_mem>>) src(%arg10 : memref<128x128xf32, #tpu.memory_space<vmem>>) dst(%dma_wait3A_43 : memref<10240x128xf32, #tpu.memory_space<vmem_shared>>)
        tpu.yield
      }) : () -> ()
    }
    %while3A_19 = arith.constant 1 : i32
    scf.for %while3A_21 = %while3A_17 to %while3A_13 step %while3A_19  : i32 {
      %dma_start3A = arith.constant 0 : i32
      %dma_start3A_22 = tpu.memref_slice %arg8[%while3A_21, %dma_start3A] : memref<105x128xi32, #tpu.memory_space<vmem>> -> memref<1x128xi32, #tpu.memory_space<vmem>>
      %dma_start3A_23 = tpu.memref_squeeze %dma_start3A_22 : memref<1x128xi32, #tpu.memory_space<vmem>> -> memref<128xi32, #tpu.memory_space<vmem>>
      %dma_start3A_24 = arith.constant 0 : i32
      %dma_start3A_25 = arith.constant 0 : i32
      %dma_start3A_26 = tpu.memref_slice %arg2[%dma_start3A_24, %dma_start3A_25] : memref<10240x128xf32, #tpu.memory_space<hbm>> -> memref<10240x128xf32, #tpu.memory_space<hbm>>
      tpu.enqueue_indirect_dma source(%dma_start3A_26 : memref<10240x128xf32, #tpu.memory_space<hbm>>) target(%arg10 : memref<128x128xf32, #tpu.memory_space<vmem>>) offsets(%dma_start3A_23 : memref<128xi32, #tpu.memory_space<vmem>>) semaphore(%arg11 : memref<!tpu.dma_semaphore, #tpu.memory_space<semaphore_mem>>)
      %dma_wait3A = arith.constant 0 : i32
      %dma_wait3A_27 = tpu.memref_slice %arg8[%while3A_21, %dma_wait3A] : memref<105x128xi32, #tpu.memory_space<vmem>> -> memref<1x128xi32, #tpu.memory_space<vmem>>
      %dma_wait3A_28 = tpu.memref_squeeze %dma_wait3A_27 : memref<1x128xi32, #tpu.memory_space<vmem>> -> memref<128xi32, #tpu.memory_space<vmem>>
      %dma_wait3A_29 = arith.constant 0 : i32
      %dma_wait3A_30 = arith.constant 0 : i32
      %dma_wait3A_31 = tpu.memref_slice %arg2[%dma_wait3A_29, %dma_wait3A_30] : memref<10240x128xf32, #tpu.memory_space<hbm>> -> memref<10240x128xf32, #tpu.memory_space<hbm>>
      tpu.wait_indirect_dma semaphore(%arg11 : memref<!tpu.dma_semaphore, #tpu.memory_space<semaphore_mem>>) src(%dma_wait3A_31 : memref<10240x128xf32, #tpu.memory_space<hbm>>) dst(%arg10 : memref<128x128xf32, #tpu.memory_space<vmem>>)
      "tpu.region"() ({
        %run_scoped3A = tpu.sem_alloc : memref<!tpu.dma_semaphore, #tpu.memory_space<semaphore_mem>>
        %dma_start3A_32 = arith.constant 0 : i32
        %dma_start3A_33 = tpu.memref_slice %arg9[%while3A_21, %dma_start3A_32] : memref<105x128xi32, #tpu.memory_space<vmem>> -> memref<1x128xi32, #tpu.memory_space<vmem>>
        %dma_start3A_34 = tpu.memref_squeeze %dma_start3A_33 : memref<1x128xi32, #tpu.memory_space<vmem>> -> memref<128xi32, #tpu.memory_space<vmem>>
        %dma_start3A_35 = arith.constant 0 : i32
        %dma_start3A_36 = arith.constant 0 : i32
        %dma_start3A_37 = tpu.memref_slice %arg7[%dma_start3A_35, %dma_start3A_36] : memref<10240x128xf32, #tpu.memory_space<vmem_shared>> -> memref<10240x128xf32, #tpu.memory_space<vmem_shared>>
        tpu.enqueue_indirect_dma source(%arg10 : memref<128x128xf32, #tpu.memory_space<vmem>>) target(%dma_start3A_37 : memref<10240x128xf32, #tpu.memory_space<vmem_shared>>) offsets(%dma_start3A_34 : memref<128xi32, #tpu.memory_space<vmem>>) semaphore(%run_scoped3A : memref<!tpu.dma_semaphore, #tpu.memory_space<semaphore_mem>>) {add = true}
        %dma_wait3A_38 = arith.constant 0 : i32
        %dma_wait3A_39 = tpu.memref_slice %arg9[%while3A_21, %dma_wait3A_38] : memref<105x128xi32, #tpu.memory_space<vmem>> -> memref<1x128xi32, #tpu.memory_space<vmem>>
        %dma_wait3A_40 = tpu.memref_squeeze %dma_wait3A_39 : memref<1x128xi32, #tpu.memory_space<vmem>> -> memref<128xi32, #tpu.memory_space<vmem>>
        %dma_wait3A_41 = arith.constant 0 : i32
        %dma_wait3A_42 = arith.constant 0 : i32
        %dma_wait3A_43 = tpu.memref_slice %arg7[%dma_wait3A_41, %dma_wait3A_42] : memref<10240x128xf32, #tpu.memory_space<vmem_shared>> -> memref<10240x128xf32, #tpu.memory_space<vmem_shared>>
        tpu.wait_indirect_dma semaphore(%run_scoped3A : memref<!tpu.dma_semaphore, #tpu.memory_space<semaphore_mem>>) src(%arg10 : memref<128x128xf32, #tpu.memory_space<vmem>>) dst(%dma_wait3A_43 : memref<10240x128xf32, #tpu.memory_space<vmem_shared>>)
        tpu.yield
      }) : () -> ()
    }
    %barrier3A_20 = arith.constant 0 : index
    tpu.barrier barrier_id(%barrier3A_20)
    "tpu.region"() ({
      %run_scoped3A = tpu.sem_alloc : memref<!tpu.dma_semaphore, #tpu.memory_space<semaphore_mem>>
      %dma_start3A = arith.constant 0 : i32
      %dma_start3A_21 = tpu.memref_slice %arg6[%arg0, %mul3A_0, %dma_start3A] : memref<2x10240x128xf32, #tpu.memory_space<hbm>> -> memref<1x640x128xf32, #tpu.memory_space<hbm>>
      %dma_start3A_22 = tpu.memref_squeeze %dma_start3A_21 : memref<1x640x128xf32, #tpu.memory_space<hbm>> -> memref<640x128xf32, #tpu.memory_space<hbm>>
      %dma_start3A_23 = arith.constant 0 : i32
      %dma_start3A_24 = tpu.memref_slice %arg7[%mul3A_0, %dma_start3A_23] : memref<10240x128xf32, #tpu.memory_space<vmem_shared>> -> memref<640x128xf32, #tpu.memory_space<vmem_shared>>
      tpu.enqueue_dma source(%dma_start3A_24 : memref<640x128xf32, #tpu.memory_space<vmem_shared>>) target(%dma_start3A_22 : memref<640x128xf32, #tpu.memory_space<hbm>>) target_semaphore(%run_scoped3A : memref<!tpu.dma_semaphore, #tpu.memory_space<semaphore_mem>>)
      %dma_wait3A = arith.constant 0 : i32
      %dma_wait3A_25 = tpu.memref_slice %arg6[%arg0, %mul3A_0, %dma_wait3A] : memref<2x10240x128xf32, #tpu.memory_space<hbm>> -> memref<1x640x128xf32, #tpu.memory_space<hbm>>
      %dma_wait3A_26 = tpu.memref_squeeze %dma_wait3A_25 : memref<1x640x128xf32, #tpu.memory_space<hbm>> -> memref<640x128xf32, #tpu.memory_space<hbm>>
      %dma_wait3A_27 = arith.constant 0 : i32
      %dma_wait3A_28 = tpu.memref_slice %arg7[%mul3A_0, %dma_wait3A_27] : memref<10240x128xf32, #tpu.memory_space<vmem_shared>> -> memref<640x128xf32, #tpu.memory_space<vmem_shared>>
      tpu.wait_dma2 semaphore(%run_scoped3A : memref<!tpu.dma_semaphore, #tpu.memory_space<semaphore_mem>>) src(%dma_wait3A_28 : memref<640x128xf32, #tpu.memory_space<vmem_shared>>) dst(%dma_wait3A_26 : memref<640x128xf32, #tpu.memory_space<hbm>>)
      tpu.yield
    }) : () -> ()
    return
  }
}

#map = affine_map<(d0, d1) -> (0, 0)>
#map1 = affine_map<(d0, d1) -> (0, 0, 0, 0)>
#map2 = affine_map<(d0, d1) -> (0, 0, 0)>
module attributes {stable_mosaic.version = 14 : i64} {
  func.func @_agg_kernel(%arg0: i32, %arg1: i32, %arg2: memref<10240x128xf32, #tpu.memory_space<hbm>>, %arg3: memref<2x16x105x128xi32, #tpu.memory_space<hbm>>, %arg4: memref<2x16x105x128xi32, #tpu.memory_space<hbm>>, %arg5: memref<10240x128xf32, #tpu.memory_space<hbm>>, %arg6: memref<2x10240x128xf32, #tpu.memory_space<hbm>>, %arg7: memref<10240x128xf32, #tpu.memory_space<vmem_shared>>, %arg8: memref<105x128xi32, #tpu.memory_space<vmem>>, %arg9: memref<105x128xi32, #tpu.memory_space<vmem>>, %arg10: memref<128x128xf32, #tpu.memory_space<vmem>>, %arg11: memref<!tpu.dma_semaphore, #tpu.memory_space<semaphore_mem>>) attributes {dimension_semantics = [#tpu.dimension_semantics<core_parallel>, #tpu.dimension_semantics<subcore_parallel>], iteration_bounds = array<i64: 2, 16>, scalar_prefetch = 0 : i64, scratch_operands = 5 : i64, tpu.core_type = #tpu.core_type<sc_vector_subcore>, window_params = [{transform_indices = #map}, {transform_indices = #map1}, {transform_indices = #map1}, {transform_indices = #map}, {transform_indices = #map2}]} {
    %mul3A = arith.constant 640 : i32
    %mul3A_0 = arith.muli %arg1, %mul3A : i32
    %eq3A = arith.constant 0 : i32
    %eq3A_1 = arith.cmpi eq, %arg0, %eq3A : i32
    %convert_element_type3A = arith.extui %eq3A_1 : i1 to i32
    %cond3A = arith.constant 0 : i32
    %cond3A_2 = arith.cmpi ne, %convert_element_type3A, %cond3A : i32
    scf.if %cond3A_2 {
      "tpu.region"() ({
        %run_scoped3A = tpu.sem_alloc : memref<!tpu.dma_semaphore, #tpu.memory_space<semaphore_mem>>
        %dma_start3A = arith.constant 0 : i32
        %dma_start3A_21 = tpu.memref_slice %arg7[%mul3A_0, %dma_start3A] : memref<10240x128xf32, #tpu.memory_space<vmem_shared>> -> memref<640x128xf32, #tpu.memory_space<vmem_shared>>
        %dma_start3A_22 = arith.constant 0 : i32
        %dma_start3A_23 = tpu.memref_slice %arg2[%mul3A_0, %dma_start3A_22] : memref<10240x128xf32, #tpu.memory_space<hbm>> -> memref<640x128xf32, #tpu.memory_space<hbm>>
        tpu.enqueue_dma source(%dma_start3A_23 : memref<640x128xf32, #tpu.memory_space<hbm>>) target(%dma_start3A_21 : memref<640x128xf32, #tpu.memory_space<vmem_shared>>) target_semaphore(%run_scoped3A : memref<!tpu.dma_semaphore, #tpu.memory_space<semaphore_mem>>)
        %dma_wait3A = arith.constant 0 : i32
        %dma_wait3A_24 = tpu.memref_slice %arg7[%mul3A_0, %dma_wait3A] : memref<10240x128xf32, #tpu.memory_space<vmem_shared>> -> memref<640x128xf32, #tpu.memory_space<vmem_shared>>
        %dma_wait3A_25 = arith.constant 0 : i32
        %dma_wait3A_26 = tpu.memref_slice %arg2[%mul3A_0, %dma_wait3A_25] : memref<10240x128xf32, #tpu.memory_space<hbm>> -> memref<640x128xf32, #tpu.memory_space<hbm>>
        tpu.wait_dma2 semaphore(%run_scoped3A : memref<!tpu.dma_semaphore, #tpu.memory_space<semaphore_mem>>) src(%dma_wait3A_26 : memref<640x128xf32, #tpu.memory_space<hbm>>) dst(%dma_wait3A_24 : memref<640x128xf32, #tpu.memory_space<vmem_shared>>)
        tpu.yield
      }) : () -> ()
    } else {
    }
    %eq3A_3 = arith.constant 1 : i32
    %eq3A_4 = arith.cmpi eq, %arg0, %eq3A_3 : i32
    %convert_element_type3A_5 = arith.extui %eq3A_4 : i1 to i32
    %cond3A_6 = arith.constant 0 : i32
    %cond3A_7 = arith.cmpi ne, %convert_element_type3A_5, %cond3A_6 : i32
    scf.if %cond3A_7 {
      "tpu.region"() ({
        %run_scoped3A = tpu.sem_alloc : memref<!tpu.dma_semaphore, #tpu.memory_space<semaphore_mem>>
        %dma_start3A = arith.constant 0 : i32
        %dma_start3A_21 = tpu.memref_slice %arg7[%mul3A_0, %dma_start3A] : memref<10240x128xf32, #tpu.memory_space<vmem_shared>> -> memref<640x128xf32, #tpu.memory_space<vmem_shared>>
        %dma_start3A_22 = arith.constant 0 : i32
        %dma_start3A_23 = tpu.memref_slice %arg5[%mul3A_0, %dma_start3A_22] : memref<10240x128xf32, #tpu.memory_space<hbm>> -> memref<640x128xf32, #tpu.memory_space<hbm>>
        tpu.enqueue_dma source(%dma_start3A_23 : memref<640x128xf32, #tpu.memory_space<hbm>>) target(%dma_start3A_21 : memref<640x128xf32, #tpu.memory_space<vmem_shared>>) target_semaphore(%run_scoped3A : memref<!tpu.dma_semaphore, #tpu.memory_space<semaphore_mem>>)
        %dma_wait3A = arith.constant 0 : i32
        %dma_wait3A_24 = tpu.memref_slice %arg7[%mul3A_0, %dma_wait3A] : memref<10240x128xf32, #tpu.memory_space<vmem_shared>> -> memref<640x128xf32, #tpu.memory_space<vmem_shared>>
        %dma_wait3A_25 = arith.constant 0 : i32
        %dma_wait3A_26 = tpu.memref_slice %arg5[%mul3A_0, %dma_wait3A_25] : memref<10240x128xf32, #tpu.memory_space<hbm>> -> memref<640x128xf32, #tpu.memory_space<hbm>>
        tpu.wait_dma2 semaphore(%run_scoped3A : memref<!tpu.dma_semaphore, #tpu.memory_space<semaphore_mem>>) src(%dma_wait3A_26 : memref<640x128xf32, #tpu.memory_space<hbm>>) dst(%dma_wait3A_24 : memref<640x128xf32, #tpu.memory_space<vmem_shared>>)
        tpu.yield
      }) : () -> ()
    } else {
    }
    "tpu.region"() ({
      %run_scoped3A = tpu.sem_alloc : memref<!tpu.dma_semaphore, #tpu.memory_space<semaphore_mem>>
      %dma_start3A = arith.constant 0 : i32
      %dma_start3A_21 = arith.constant 0 : i32
      %dma_start3A_22 = tpu.memref_slice %arg3[%arg0, %arg1, %dma_start3A, %dma_start3A_21] : memref<2x16x105x128xi32, #tpu.memory_space<hbm>> -> memref<1x1x105x128xi32, #tpu.memory_space<hbm>>
      %dma_start3A_23 = tpu.memref_squeeze %dma_start3A_22 : memref<1x1x105x128xi32, #tpu.memory_space<hbm>> -> memref<105x128xi32, #tpu.memory_space<hbm>>
      %dma_start3A_24 = arith.constant 0 : i32
      %dma_start3A_25 = arith.constant 0 : i32
      %dma_start3A_26 = tpu.memref_slice %arg3[%arg0, %arg1, %dma_start3A_24, %dma_start3A_25] : memref<2x16x105x128xi32, #tpu.memory_space<hbm>> -> memref<1x1x105x128xi32, #tpu.memory_space<hbm>>
      %dma_start3A_27 = tpu.memref_squeeze %dma_start3A_26 : memref<1x1x105x128xi32, #tpu.memory_space<hbm>> -> memref<105x128xi32, #tpu.memory_space<hbm>>
      tpu.enqueue_dma source(%dma_start3A_27 : memref<105x128xi32, #tpu.memory_space<hbm>>) target(%arg8 : memref<105x128xi32, #tpu.memory_space<vmem>>) target_semaphore(%run_scoped3A : memref<!tpu.dma_semaphore, #tpu.memory_space<semaphore_mem>>)
      %dma_wait3A = arith.constant 0 : i32
      %dma_wait3A_28 = arith.constant 0 : i32
      %dma_wait3A_29 = tpu.memref_slice %arg3[%arg0, %arg1, %dma_wait3A, %dma_wait3A_28] : memref<2x16x105x128xi32, #tpu.memory_space<hbm>> -> memref<1x1x105x128xi32, #tpu.memory_space<hbm>>
      %dma_wait3A_30 = tpu.memref_squeeze %dma_wait3A_29 : memref<1x1x105x128xi32, #tpu.memory_space<hbm>> -> memref<105x128xi32, #tpu.memory_space<hbm>>
      %dma_wait3A_31 = arith.constant 0 : i32
      %dma_wait3A_32 = arith.constant 0 : i32
      %dma_wait3A_33 = tpu.memref_slice %arg3[%arg0, %arg1, %dma_wait3A_31, %dma_wait3A_32] : memref<2x16x105x128xi32, #tpu.memory_space<hbm>> -> memref<1x1x105x128xi32, #tpu.memory_space<hbm>>
      %dma_wait3A_34 = tpu.memref_squeeze %dma_wait3A_33 : memref<1x1x105x128xi32, #tpu.memory_space<hbm>> -> memref<105x128xi32, #tpu.memory_space<hbm>>
      tpu.wait_dma2 semaphore(%run_scoped3A : memref<!tpu.dma_semaphore, #tpu.memory_space<semaphore_mem>>) src(%dma_wait3A_34 : memref<105x128xi32, #tpu.memory_space<hbm>>) dst(%arg8 : memref<105x128xi32, #tpu.memory_space<vmem>>)
      tpu.yield
    }) : () -> ()
    "tpu.region"() ({
      %run_scoped3A = tpu.sem_alloc : memref<!tpu.dma_semaphore, #tpu.memory_space<semaphore_mem>>
      %dma_start3A = arith.constant 0 : i32
      %dma_start3A_21 = arith.constant 0 : i32
      %dma_start3A_22 = tpu.memref_slice %arg4[%arg0, %arg1, %dma_start3A, %dma_start3A_21] : memref<2x16x105x128xi32, #tpu.memory_space<hbm>> -> memref<1x1x105x128xi32, #tpu.memory_space<hbm>>
      %dma_start3A_23 = tpu.memref_squeeze %dma_start3A_22 : memref<1x1x105x128xi32, #tpu.memory_space<hbm>> -> memref<105x128xi32, #tpu.memory_space<hbm>>
      %dma_start3A_24 = arith.constant 0 : i32
      %dma_start3A_25 = arith.constant 0 : i32
      %dma_start3A_26 = tpu.memref_slice %arg4[%arg0, %arg1, %dma_start3A_24, %dma_start3A_25] : memref<2x16x105x128xi32, #tpu.memory_space<hbm>> -> memref<1x1x105x128xi32, #tpu.memory_space<hbm>>
      %dma_start3A_27 = tpu.memref_squeeze %dma_start3A_26 : memref<1x1x105x128xi32, #tpu.memory_space<hbm>> -> memref<105x128xi32, #tpu.memory_space<hbm>>
      tpu.enqueue_dma source(%dma_start3A_27 : memref<105x128xi32, #tpu.memory_space<hbm>>) target(%arg9 : memref<105x128xi32, #tpu.memory_space<vmem>>) target_semaphore(%run_scoped3A : memref<!tpu.dma_semaphore, #tpu.memory_space<semaphore_mem>>)
      %dma_wait3A = arith.constant 0 : i32
      %dma_wait3A_28 = arith.constant 0 : i32
      %dma_wait3A_29 = tpu.memref_slice %arg4[%arg0, %arg1, %dma_wait3A, %dma_wait3A_28] : memref<2x16x105x128xi32, #tpu.memory_space<hbm>> -> memref<1x1x105x128xi32, #tpu.memory_space<hbm>>
      %dma_wait3A_30 = tpu.memref_squeeze %dma_wait3A_29 : memref<1x1x105x128xi32, #tpu.memory_space<hbm>> -> memref<105x128xi32, #tpu.memory_space<hbm>>
      %dma_wait3A_31 = arith.constant 0 : i32
      %dma_wait3A_32 = arith.constant 0 : i32
      %dma_wait3A_33 = tpu.memref_slice %arg4[%arg0, %arg1, %dma_wait3A_31, %dma_wait3A_32] : memref<2x16x105x128xi32, #tpu.memory_space<hbm>> -> memref<1x1x105x128xi32, #tpu.memory_space<hbm>>
      %dma_wait3A_34 = tpu.memref_squeeze %dma_wait3A_33 : memref<1x1x105x128xi32, #tpu.memory_space<hbm>> -> memref<105x128xi32, #tpu.memory_space<hbm>>
      tpu.wait_dma2 semaphore(%run_scoped3A : memref<!tpu.dma_semaphore, #tpu.memory_space<semaphore_mem>>) src(%dma_wait3A_34 : memref<105x128xi32, #tpu.memory_space<hbm>>) dst(%arg9 : memref<105x128xi32, #tpu.memory_space<vmem>>)
      tpu.yield
    }) : () -> ()
    %barrier3A = arith.constant 0 : index
    tpu.barrier barrier_id(%barrier3A)
    %eq3A_8 = arith.constant 0 : i32
    %eq3A_9 = arith.cmpi eq, %arg0, %eq3A_8 : i32
    %jit3A = arith.constant 105 : i32
    %jit3A_10 = arith.constant 53 : i32
    %select_n3A = arith.select %eq3A_9, %jit3A, %jit3A_10 : i32
    %while3A = arith.constant 0 : i32
    %while3A_11 = arith.constant 0 : i32
    %while3A_12 = arith.subi %select_n3A, %while3A_11 : i32
    %while3A_13 = arith.addi %while3A_11, %while3A_12 : i32
    %while3A_14 = arith.constant 1 : i32
    %while3A_15 = arith.divsi %while3A_12, %while3A_14 : i32
    %while3A_16 = arith.muli %while3A_15, %while3A_14 : i32
    %while3A_17 = arith.addi %while3A_11, %while3A_16 : i32
    %while3A_18 = arith.constant 1 : i32
    scf.for %while3A_21 = %while3A_11 to %while3A_17 step %while3A_18  : i32 {
      %dma_start3A = arith.constant 0 : i32
      %dma_start3A_22 = tpu.memref_slice %arg8[%while3A_21, %dma_start3A] : memref<105x128xi32, #tpu.memory_space<vmem>> -> memref<1x128xi32, #tpu.memory_space<vmem>>
      %dma_start3A_23 = tpu.memref_squeeze %dma_start3A_22 : memref<1x128xi32, #tpu.memory_space<vmem>> -> memref<128xi32, #tpu.memory_space<vmem>>
      %dma_start3A_24 = arith.constant 0 : i32
      %dma_start3A_25 = arith.constant 0 : i32
      %dma_start3A_26 = tpu.memref_slice %arg2[%dma_start3A_24, %dma_start3A_25] : memref<10240x128xf32, #tpu.memory_space<hbm>> -> memref<10240x128xf32, #tpu.memory_space<hbm>>
      tpu.enqueue_indirect_dma source(%dma_start3A_26 : memref<10240x128xf32, #tpu.memory_space<hbm>>) target(%arg10 : memref<128x128xf32, #tpu.memory_space<vmem>>) offsets(%dma_start3A_23 : memref<128xi32, #tpu.memory_space<vmem>>) semaphore(%arg11 : memref<!tpu.dma_semaphore, #tpu.memory_space<semaphore_mem>>)
      %dma_wait3A = arith.constant 0 : i32
      %dma_wait3A_27 = tpu.memref_slice %arg8[%while3A_21, %dma_wait3A] : memref<105x128xi32, #tpu.memory_space<vmem>> -> memref<1x128xi32, #tpu.memory_space<vmem>>
      %dma_wait3A_28 = tpu.memref_squeeze %dma_wait3A_27 : memref<1x128xi32, #tpu.memory_space<vmem>> -> memref<128xi32, #tpu.memory_space<vmem>>
      %dma_wait3A_29 = arith.constant 0 : i32
      %dma_wait3A_30 = arith.constant 0 : i32
      %dma_wait3A_31 = tpu.memref_slice %arg2[%dma_wait3A_29, %dma_wait3A_30] : memref<10240x128xf32, #tpu.memory_space<hbm>> -> memref<10240x128xf32, #tpu.memory_space<hbm>>
      tpu.wait_indirect_dma semaphore(%arg11 : memref<!tpu.dma_semaphore, #tpu.memory_space<semaphore_mem>>) src(%dma_wait3A_31 : memref<10240x128xf32, #tpu.memory_space<hbm>>) dst(%arg10 : memref<128x128xf32, #tpu.memory_space<vmem>>)
      "tpu.region"() ({
        %run_scoped3A = tpu.sem_alloc : memref<!tpu.dma_semaphore, #tpu.memory_space<semaphore_mem>>
        %dma_start3A_32 = arith.constant 0 : i32
        %dma_start3A_33 = tpu.memref_slice %arg9[%while3A_21, %dma_start3A_32] : memref<105x128xi32, #tpu.memory_space<vmem>> -> memref<1x128xi32, #tpu.memory_space<vmem>>
        %dma_start3A_34 = tpu.memref_squeeze %dma_start3A_33 : memref<1x128xi32, #tpu.memory_space<vmem>> -> memref<128xi32, #tpu.memory_space<vmem>>
        %dma_start3A_35 = arith.constant 0 : i32
        %dma_start3A_36 = arith.constant 0 : i32
        %dma_start3A_37 = tpu.memref_slice %arg7[%dma_start3A_35, %dma_start3A_36] : memref<10240x128xf32, #tpu.memory_space<vmem_shared>> -> memref<10240x128xf32, #tpu.memory_space<vmem_shared>>
        tpu.enqueue_indirect_dma source(%arg10 : memref<128x128xf32, #tpu.memory_space<vmem>>) target(%dma_start3A_37 : memref<10240x128xf32, #tpu.memory_space<vmem_shared>>) offsets(%dma_start3A_34 : memref<128xi32, #tpu.memory_space<vmem>>) semaphore(%run_scoped3A : memref<!tpu.dma_semaphore, #tpu.memory_space<semaphore_mem>>) {add = true}
        %dma_wait3A_38 = arith.constant 0 : i32
        %dma_wait3A_39 = tpu.memref_slice %arg9[%while3A_21, %dma_wait3A_38] : memref<105x128xi32, #tpu.memory_space<vmem>> -> memref<1x128xi32, #tpu.memory_space<vmem>>
        %dma_wait3A_40 = tpu.memref_squeeze %dma_wait3A_39 : memref<1x128xi32, #tpu.memory_space<vmem>> -> memref<128xi32, #tpu.memory_space<vmem>>
        %dma_wait3A_41 = arith.constant 0 : i32
        %dma_wait3A_42 = arith.constant 0 : i32
        %dma_wait3A_43 = tpu.memref_slice %arg7[%dma_wait3A_41, %dma_wait3A_42] : memref<10240x128xf32, #tpu.memory_space<vmem_shared>> -> memref<10240x128xf32, #tpu.memory_space<vmem_shared>>
        tpu.wait_indirect_dma semaphore(%run_scoped3A : memref<!tpu.dma_semaphore, #tpu.memory_space<semaphore_mem>>) src(%arg10 : memref<128x128xf32, #tpu.memory_space<vmem>>) dst(%dma_wait3A_43 : memref<10240x128xf32, #tpu.memory_space<vmem_shared>>)
        tpu.yield
      }) : () -> ()
    }
    %while3A_19 = arith.constant 1 : i32
    scf.for %while3A_21 = %while3A_17 to %while3A_13 step %while3A_19  : i32 {
      %dma_start3A = arith.constant 0 : i32
      %dma_start3A_22 = tpu.memref_slice %arg8[%while3A_21, %dma_start3A] : memref<105x128xi32, #tpu.memory_space<vmem>> -> memref<1x128xi32, #tpu.memory_space<vmem>>
      %dma_start3A_23 = tpu.memref_squeeze %dma_start3A_22 : memref<1x128xi32, #tpu.memory_space<vmem>> -> memref<128xi32, #tpu.memory_space<vmem>>
      %dma_start3A_24 = arith.constant 0 : i32
      %dma_start3A_25 = arith.constant 0 : i32
      %dma_start3A_26 = tpu.memref_slice %arg2[%dma_start3A_24, %dma_start3A_25] : memref<10240x128xf32, #tpu.memory_space<hbm>> -> memref<10240x128xf32, #tpu.memory_space<hbm>>
      tpu.enqueue_indirect_dma source(%dma_start3A_26 : memref<10240x128xf32, #tpu.memory_space<hbm>>) target(%arg10 : memref<128x128xf32, #tpu.memory_space<vmem>>) offsets(%dma_start3A_23 : memref<128xi32, #tpu.memory_space<vmem>>) semaphore(%arg11 : memref<!tpu.dma_semaphore, #tpu.memory_space<semaphore_mem>>)
      %dma_wait3A = arith.constant 0 : i32
      %dma_wait3A_27 = tpu.memref_slice %arg8[%while3A_21, %dma_wait3A] : memref<105x128xi32, #tpu.memory_space<vmem>> -> memref<1x128xi32, #tpu.memory_space<vmem>>
      %dma_wait3A_28 = tpu.memref_squeeze %dma_wait3A_27 : memref<1x128xi32, #tpu.memory_space<vmem>> -> memref<128xi32, #tpu.memory_space<vmem>>
      %dma_wait3A_29 = arith.constant 0 : i32
      %dma_wait3A_30 = arith.constant 0 : i32
      %dma_wait3A_31 = tpu.memref_slice %arg2[%dma_wait3A_29, %dma_wait3A_30] : memref<10240x128xf32, #tpu.memory_space<hbm>> -> memref<10240x128xf32, #tpu.memory_space<hbm>>
      tpu.wait_indirect_dma semaphore(%arg11 : memref<!tpu.dma_semaphore, #tpu.memory_space<semaphore_mem>>) src(%dma_wait3A_31 : memref<10240x128xf32, #tpu.memory_space<hbm>>) dst(%arg10 : memref<128x128xf32, #tpu.memory_space<vmem>>)
      "tpu.region"() ({
        %run_scoped3A = tpu.sem_alloc : memref<!tpu.dma_semaphore, #tpu.memory_space<semaphore_mem>>
        %dma_start3A_32 = arith.constant 0 : i32
        %dma_start3A_33 = tpu.memref_slice %arg9[%while3A_21, %dma_start3A_32] : memref<105x128xi32, #tpu.memory_space<vmem>> -> memref<1x128xi32, #tpu.memory_space<vmem>>
        %dma_start3A_34 = tpu.memref_squeeze %dma_start3A_33 : memref<1x128xi32, #tpu.memory_space<vmem>> -> memref<128xi32, #tpu.memory_space<vmem>>
        %dma_start3A_35 = arith.constant 0 : i32
        %dma_start3A_36 = arith.constant 0 : i32
        %dma_start3A_37 = tpu.memref_slice %arg7[%dma_start3A_35, %dma_start3A_36] : memref<10240x128xf32, #tpu.memory_space<vmem_shared>> -> memref<10240x128xf32, #tpu.memory_space<vmem_shared>>
        tpu.enqueue_indirect_dma source(%arg10 : memref<128x128xf32, #tpu.memory_space<vmem>>) target(%dma_start3A_37 : memref<10240x128xf32, #tpu.memory_space<vmem_shared>>) offsets(%dma_start3A_34 : memref<128xi32, #tpu.memory_space<vmem>>) semaphore(%run_scoped3A : memref<!tpu.dma_semaphore, #tpu.memory_space<semaphore_mem>>) {add = true}
        %dma_wait3A_38 = arith.constant 0 : i32
        %dma_wait3A_39 = tpu.memref_slice %arg9[%while3A_21, %dma_wait3A_38] : memref<105x128xi32, #tpu.memory_space<vmem>> -> memref<1x128xi32, #tpu.memory_space<vmem>>
        %dma_wait3A_40 = tpu.memref_squeeze %dma_wait3A_39 : memref<1x128xi32, #tpu.memory_space<vmem>> -> memref<128xi32, #tpu.memory_space<vmem>>
        %dma_wait3A_41 = arith.constant 0 : i32
        %dma_wait3A_42 = arith.constant 0 : i32
        %dma_wait3A_43 = tpu.memref_slice %arg7[%dma_wait3A_41, %dma_wait3A_42] : memref<10240x128xf32, #tpu.memory_space<vmem_shared>> -> memref<10240x128xf32, #tpu.memory_space<vmem_shared>>
        tpu.wait_indirect_dma semaphore(%run_scoped3A : memref<!tpu.dma_semaphore, #tpu.memory_space<semaphore_mem>>) src(%arg10 : memref<128x128xf32, #tpu.memory_space<vmem>>) dst(%dma_wait3A_43 : memref<10240x128xf32, #tpu.memory_space<vmem_shared>>)
        tpu.yield
      }) : () -> ()
    }
    %barrier3A_20 = arith.constant 0 : index
    tpu.barrier barrier_id(%barrier3A_20)
    "tpu.region"() ({
      %run_scoped3A = tpu.sem_alloc : memref<!tpu.dma_semaphore, #tpu.memory_space<semaphore_mem>>
      %dma_start3A = arith.constant 0 : i32
      %dma_start3A_21 = tpu.memref_slice %arg6[%arg0, %mul3A_0, %dma_start3A] : memref<2x10240x128xf32, #tpu.memory_space<hbm>> -> memref<1x640x128xf32, #tpu.memory_space<hbm>>
      %dma_start3A_22 = tpu.memref_squeeze %dma_start3A_21 : memref<1x640x128xf32, #tpu.memory_space<hbm>> -> memref<640x128xf32, #tpu.memory_space<hbm>>
      %dma_start3A_23 = arith.constant 0 : i32
      %dma_start3A_24 = tpu.memref_slice %arg7[%mul3A_0, %dma_start3A_23] : memref<10240x128xf32, #tpu.memory_space<vmem_shared>> -> memref<640x128xf32, #tpu.memory_space<vmem_shared>>
      tpu.enqueue_dma source(%dma_start3A_24 : memref<640x128xf32, #tpu.memory_space<vmem_shared>>) target(%dma_start3A_22 : memref<640x128xf32, #tpu.memory_space<hbm>>) target_semaphore(%run_scoped3A : memref<!tpu.dma_semaphore, #tpu.memory_space<semaphore_mem>>)
      %dma_wait3A = arith.constant 0 : i32
      %dma_wait3A_25 = tpu.memref_slice %arg6[%arg0, %mul3A_0, %dma_wait3A] : memref<2x10240x128xf32, #tpu.memory_space<hbm>> -> memref<1x640x128xf32, #tpu.memory_space<hbm>>
      %dma_wait3A_26 = tpu.memref_squeeze %dma_wait3A_25 : memref<1x640x128xf32, #tpu.memory_space<hbm>> -> memref<640x128xf32, #tpu.memory_space<hbm>>
      %dma_wait3A_27 = arith.constant 0 : i32
      %dma_wait3A_28 = tpu.memref_slice %arg7[%mul3A_0, %dma_wait3A_27] : memref<10240x128xf32, #tpu.memory_space<vmem_shared>> -> memref<640x128xf32, #tpu.memory_space<vmem_shared>>
      tpu.wait_dma2 semaphore(%run_scoped3A : memref<!tpu.dma_semaphore, #tpu.memory_space<semaphore_mem>>) src(%dma_wait3A_28 : memref<640x128xf32, #tpu.memory_space<vmem_shared>>) dst(%dma_wait3A_26 : memref<640x128xf32, #tpu.memory_space<hbm>>)
      tpu.yield
    }) : () -> ()
    return
  }
}

module attributes {stable_mosaic.version = 14 : i64} {
  func.func @_k1_body(%arg0: i32, %arg1: memref<640x128xf32, #tpu.memory_space<vmem>>, %arg2: memref<128x128xf32, #tpu.memory_space<vmem>>, %arg3: memref<640x128xf32, #tpu.memory_space<vmem>>, %arg4: memref<640x128xf32, #tpu.memory_space<vmem>>, %arg5: memref<640x128xf32, #tpu.memory_space<vmem>>) attributes {dimension_semantics = [#tpu.dimension_semantics<arbitrary>], iteration_bounds = array<i64: 16>, scalar_prefetch = 0 : i64, scratch_operands = 0 : i64, tpu.core_type = #tpu.core_type<tc>, window_params = [{transform_indices = @transform_0, window_bounds = array<i64: 640, 128>}, {pipeline_mode = #tpu.pipeline_mode<synchronous>, transform_indices = @transform_1, window_bounds = array<i64: 128, 128>}, {transform_indices = @transform_2, window_bounds = array<i64: 640, 128>}, {transform_indices = @transform_3, window_bounds = array<i64: 640, 128>}, {transform_indices = @transform_4, window_bounds = array<i64: 640, 128>}]} {
    %get3A = arith.constant 0 : index
    %get3A_0 = arith.constant 0 : index
    %get3A_1 = vector.load %arg3[%get3A, %get3A_0] : memref<640x128xf32, #tpu.memory_space<vmem>>, vector<640x1xf32>
    %get3A_2 = arith.constant 0 : index
    %get3A_3 = arith.constant 0 : index
    %get3A_4 = vector.load %arg4[%get3A_2, %get3A_3] : memref<640x128xf32, #tpu.memory_space<vmem>>, vector<640x1xf32>
    %add3A = arith.addf %get3A_1, %get3A_4 : vector<640x1xf32>
    %add3A_5 = arith.constant 1.000000e+00 : f32
    %add3A_6 = vector.broadcast %add3A_5 : f32 to vector<640x1xf32>
    %add3A_7 = arith.addf %add3A, %add3A_6 : vector<640x1xf32>
    %rsqrt3A = math.rsqrt %add3A_7 : vector<640x1xf32>
    %get3A_8 = arith.constant 0 : index
    %get3A_9 = arith.constant 0 : index
    %get3A_10 = vector.load %arg1[%get3A_8, %get3A_9] : memref<640x128xf32, #tpu.memory_space<vmem>>, vector<640x128xf32>
    %get3A_11 = arith.constant 0 : index
    %get3A_12 = arith.constant 0 : index
    %get3A_13 = vector.load %arg2[%get3A_11, %get3A_12] : memref<128x128xf32, #tpu.memory_space<vmem>>, vector<128x128xf32>
    %dot_general3A = arith.constant dense<0.000000e+00> : vector<640x128xf32>
    %dot_general3A_14 = tpu.matmul %get3A_10, %get3A_13, %dot_general3A {dimension_numbers = #tpu.dot_dimension_numbers<[1], [0], [0], [1], [0, 0, 1, 1], [], []>, transpose_lhs_hint = false} : vector<640x128xf32>, vector<128x128xf32>, vector<640x128xf32> -> vector<640x128xf32>
    %mul3A = vector.broadcast %rsqrt3A : vector<640x1xf32> to vector<640x128xf32>
    %mul3A_15 = arith.mulf %mul3A, %dot_general3A_14 : vector<640x128xf32>
    %swap3A = arith.constant 0 : index
    %swap3A_16 = arith.constant 0 : index
    %swap3A_17 = vector.load %arg5[%swap3A, %swap3A_16] : memref<640x128xf32, #tpu.memory_space<vmem>>, vector<640x128xf32>
    tpu.vector_store %arg5[%swap3A, %swap3A_16], %mul3A_15 {strides = array<i32>} : memref<640x128xf32, #tpu.memory_space<vmem>>, vector<640x128xf32>,
    return
  }
  func.func @transform_0(%arg0: i32) -> (i32, i32) {
    %c0_i32 = arith.constant 0 : i32
    %c0_i32_0 = arith.constant 0 : i32
    return %arg0, %c0_i32 : i32, i32
  }
  func.func @transform_1(%arg0: i32) -> (i32, i32) {
    %c0_i32 = arith.constant 0 : i32
    %c0_i32_0 = arith.constant 0 : i32
    %c0_i32_1 = arith.constant 0 : i32
    return %c0_i32, %c0_i32_0 : i32, i32
  }
  func.func @transform_2(%arg0: i32) -> (i32, i32) {
    %c0_i32 = arith.constant 0 : i32
    %c0_i32_0 = arith.constant 0 : i32
    return %arg0, %c0_i32 : i32, i32
  }
  func.func @transform_3(%arg0: i32) -> (i32, i32) {
    %c0_i32 = arith.constant 0 : i32
    %c0_i32_0 = arith.constant 0 : i32
    return %arg0, %c0_i32 : i32, i32
  }
  func.func @transform_4(%arg0: i32) -> (i32, i32) {
    %c0_i32 = arith.constant 0 : i32
    %c0_i32_0 = arith.constant 0 : i32
    return %arg0, %c0_i32 : i32, i32
  }
}

module attributes {stable_mosaic.version = 14 : i64} {
  func.func @_k2_body(%arg0: i32, %arg1: memref<2x640x128xf32, #tpu.memory_space<vmem>>, %arg2: memref<640x128xf32, #tpu.memory_space<vmem>>, %arg3: memref<640x128xf32, #tpu.memory_space<vmem>>, %arg4: memref<1x128xf32, #tpu.memory_space<vmem>>, %arg5: memref<128x128xf32, #tpu.memory_space<vmem>>, %arg6: memref<640x128xf32, #tpu.memory_space<vmem>>) attributes {dimension_semantics = [#tpu.dimension_semantics<arbitrary>], iteration_bounds = array<i64: 16>, scalar_prefetch = 0 : i64, scratch_operands = 0 : i64, tpu.core_type = #tpu.core_type<tc>, window_params = [{transform_indices = @transform_0, window_bounds = array<i64: 2, 640, 128>}, {transform_indices = @transform_1, window_bounds = array<i64: 640, 128>}, {transform_indices = @transform_2, window_bounds = array<i64: 640, 128>}, {pipeline_mode = #tpu.pipeline_mode<synchronous>, transform_indices = @transform_3, window_bounds = array<i64: 1, 128>}, {pipeline_mode = #tpu.pipeline_mode<synchronous>, transform_indices = @transform_4, window_bounds = array<i64: 128, 128>}, {transform_indices = @transform_5, window_bounds = array<i64: 640, 128>}]} {
    %get3A = arith.constant 0 : index
    %get3A_0 = arith.constant 0 : index
    %get3A_1 = vector.load %arg2[%get3A, %get3A_0] : memref<640x128xf32, #tpu.memory_space<vmem>>, vector<640x1xf32>
    %get3A_2 = arith.constant 0 : index
    %get3A_3 = arith.constant 0 : index
    %get3A_4 = vector.load %arg3[%get3A_2, %get3A_3] : memref<640x128xf32, #tpu.memory_space<vmem>>, vector<640x1xf32>
    %add3A = arith.addf %get3A_1, %get3A_4 : vector<640x1xf32>
    %add3A_5 = arith.constant 1.000000e+00 : f32
    %add3A_6 = vector.broadcast %add3A_5 : f32 to vector<640x1xf32>
    %add3A_7 = arith.addf %add3A, %add3A_6 : vector<640x1xf32>
    %rsqrt3A = math.rsqrt %add3A_7 : vector<640x1xf32>
    %get3A_8 = arith.constant 0 : index
    %get3A_9 = arith.constant 0 : index
    %get3A_10 = arith.constant 0 : index
    %get3A_11 = vector.load %arg1[%get3A_8, %get3A_9, %get3A_10] : memref<2x640x128xf32, #tpu.memory_space<vmem>>, vector<1x640x128xf32>
    %get3A_12 = vector.shape_cast %get3A_11 : vector<1x640x128xf32> to vector<640x128xf32>
    %get3A_13 = arith.constant 1 : index
    %get3A_14 = arith.constant 0 : index
    %get3A_15 = arith.constant 0 : index
    %get3A_16 = vector.load %arg1[%get3A_13, %get3A_14, %get3A_15] : memref<2x640x128xf32, #tpu.memory_space<vmem>>, vector<1x640x128xf32>
    %get3A_17 = vector.shape_cast %get3A_16 : vector<1x640x128xf32> to vector<640x128xf32>
    %add3A_18 = arith.addf %get3A_12, %get3A_17 : vector<640x128xf32>
    %mul3A = vector.broadcast %rsqrt3A : vector<640x1xf32> to vector<640x128xf32>
    %mul3A_19 = arith.mulf %mul3A, %add3A_18 : vector<640x128xf32>
    %get3A_20 = arith.constant 0 : index
    %get3A_21 = arith.constant 0 : index
    %get3A_22 = vector.load %arg4[%get3A_20, %get3A_21] : memref<1x128xf32, #tpu.memory_space<vmem>>, vector<1x128xf32>
    %add3A_23 = vector.broadcast %get3A_22 : vector<1x128xf32> to vector<640x128xf32>
    %add3A_24 = arith.addf %mul3A_19, %add3A_23 : vector<640x128xf32>
    %max3A = arith.constant 0.000000e+00 : f32
    %max3A_25 = vector.broadcast %max3A : f32 to vector<640x128xf32>
    %max3A_26 = arith.maximumf %add3A_24, %max3A_25 : vector<640x128xf32>
    %get3A_27 = arith.constant 0 : index
    %get3A_28 = arith.constant 0 : index
    %get3A_29 = vector.load %arg5[%get3A_27, %get3A_28] : memref<128x128xf32, #tpu.memory_space<vmem>>, vector<128x128xf32>
    %dot_general3A = arith.constant dense<0.000000e+00> : vector<640x128xf32>
    %dot_general3A_30 = tpu.matmul %max3A_26, %get3A_29, %dot_general3A {dimension_numbers = #tpu.dot_dimension_numbers<[1], [0], [0], [1], [0, 0, 1, 1], [], []>, transpose_lhs_hint = false} : vector<640x128xf32>, vector<128x128xf32>, vector<640x128xf32> -> vector<640x128xf32>
    %mul3A_31 = vector.broadcast %rsqrt3A : vector<640x1xf32> to vector<640x128xf32>
    %mul3A_32 = arith.mulf %mul3A_31, %dot_general3A_30 : vector<640x128xf32>
    %swap3A = arith.constant 0 : index
    %swap3A_33 = arith.constant 0 : index
    %swap3A_34 = vector.load %arg6[%swap3A, %swap3A_33] : memref<640x128xf32, #tpu.memory_space<vmem>>, vector<640x128xf32>
    tpu.vector_store %arg6[%swap3A, %swap3A_33], %mul3A_32 {strides = array<i32>} : memref<640x128xf32, #tpu.memory_space<vmem>>, vector<640x128xf32>,
    return
  }
  func.func @transform_0(%arg0: i32) -> (i32, i32, i32) {
    %c0_i32 = arith.constant 0 : i32
    %c0_i32_0 = arith.constant 0 : i32
    %c0_i32_1 = arith.constant 0 : i32
    return %c0_i32, %arg0, %c0_i32_0 : i32, i32, i32
  }
  func.func @transform_1(%arg0: i32) -> (i32, i32) {
    %c0_i32 = arith.constant 0 : i32
    %c0_i32_0 = arith.constant 0 : i32
    return %arg0, %c0_i32 : i32, i32
  }
  func.func @transform_2(%arg0: i32) -> (i32, i32) {
    %c0_i32 = arith.constant 0 : i32
    %c0_i32_0 = arith.constant 0 : i32
    return %arg0, %c0_i32 : i32, i32
  }
  func.func @transform_3(%arg0: i32) -> (i32, i32) {
    %c0_i32 = arith.constant 0 : i32
    %c0_i32_0 = arith.constant 0 : i32
    %c0_i32_1 = arith.constant 0 : i32
    return %c0_i32, %c0_i32_0 : i32, i32
  }
  func.func @transform_4(%arg0: i32) -> (i32, i32) {
    %c0_i32 = arith.constant 0 : i32
    %c0_i32_0 = arith.constant 0 : i32
    %c0_i32_1 = arith.constant 0 : i32
    return %c0_i32, %c0_i32_0 : i32, i32
  }
  func.func @transform_5(%arg0: i32) -> (i32, i32) {
    %c0_i32 = arith.constant 0 : i32
    %c0_i32_0 = arith.constant 0 : i32
    return %arg0, %c0_i32 : i32, i32
  }
}

module attributes {stable_mosaic.version = 14 : i64} {
  func.func @_k3_body(%arg0: i32, %arg1: memref<2x640x128xf32, #tpu.memory_space<vmem>>, %arg2: memref<640x128xf32, #tpu.memory_space<vmem>>, %arg3: memref<640x128xf32, #tpu.memory_space<vmem>>, %arg4: memref<1x128xf32, #tpu.memory_space<vmem>>, %arg5: memref<640x128xf32, #tpu.memory_space<vmem>>) attributes {dimension_semantics = [#tpu.dimension_semantics<arbitrary>], iteration_bounds = array<i64: 16>, scalar_prefetch = 0 : i64, scratch_operands = 0 : i64, tpu.core_type = #tpu.core_type<tc>, window_params = [{transform_indices = @transform_0, window_bounds = array<i64: 2, 640, 128>}, {transform_indices = @transform_1, window_bounds = array<i64: 640, 128>}, {transform_indices = @transform_2, window_bounds = array<i64: 640, 128>}, {pipeline_mode = #tpu.pipeline_mode<synchronous>, transform_indices = @transform_3, window_bounds = array<i64: 1, 128>}, {transform_indices = @transform_4, window_bounds = array<i64: 640, 128>}]} {
    %get3A = arith.constant 0 : index
    %get3A_0 = arith.constant 0 : index
    %get3A_1 = vector.load %arg2[%get3A, %get3A_0] : memref<640x128xf32, #tpu.memory_space<vmem>>, vector<640x1xf32>
    %get3A_2 = arith.constant 0 : index
    %get3A_3 = arith.constant 0 : index
    %get3A_4 = vector.load %arg3[%get3A_2, %get3A_3] : memref<640x128xf32, #tpu.memory_space<vmem>>, vector<640x1xf32>
    %add3A = arith.addf %get3A_1, %get3A_4 : vector<640x1xf32>
    %add3A_5 = arith.constant 1.000000e+00 : f32
    %add3A_6 = vector.broadcast %add3A_5 : f32 to vector<640x1xf32>
    %add3A_7 = arith.addf %add3A, %add3A_6 : vector<640x1xf32>
    %rsqrt3A = math.rsqrt %add3A_7 : vector<640x1xf32>
    %get3A_8 = arith.constant 0 : index
    %get3A_9 = arith.constant 0 : index
    %get3A_10 = arith.constant 0 : index
    %get3A_11 = vector.load %arg1[%get3A_8, %get3A_9, %get3A_10] : memref<2x640x128xf32, #tpu.memory_space<vmem>>, vector<1x640x128xf32>
    %get3A_12 = vector.shape_cast %get3A_11 : vector<1x640x128xf32> to vector<640x128xf32>
    %get3A_13 = arith.constant 1 : index
    %get3A_14 = arith.constant 0 : index
    %get3A_15 = arith.constant 0 : index
    %get3A_16 = vector.load %arg1[%get3A_13, %get3A_14, %get3A_15] : memref<2x640x128xf32, #tpu.memory_space<vmem>>, vector<1x640x128xf32>
    %get3A_17 = vector.shape_cast %get3A_16 : vector<1x640x128xf32> to vector<640x128xf32>
    %add3A_18 = arith.addf %get3A_12, %get3A_17 : vector<640x128xf32>
    %mul3A = vector.broadcast %rsqrt3A : vector<640x1xf32> to vector<640x128xf32>
    %mul3A_19 = arith.mulf %mul3A, %add3A_18 : vector<640x128xf32>
    %get3A_20 = arith.constant 0 : index
    %get3A_21 = arith.constant 0 : index
    %get3A_22 = vector.load %arg4[%get3A_20, %get3A_21] : memref<1x128xf32, #tpu.memory_space<vmem>>, vector<1x128xf32>
    %add3A_23 = vector.broadcast %get3A_22 : vector<1x128xf32> to vector<640x128xf32>
    %add3A_24 = arith.addf %mul3A_19, %add3A_23 : vector<640x128xf32>
    %swap3A = arith.constant 0 : index
    %swap3A_25 = arith.constant 0 : index
    %swap3A_26 = vector.load %arg5[%swap3A, %swap3A_25] : memref<640x128xf32, #tpu.memory_space<vmem>>, vector<640x128xf32>
    tpu.vector_store %arg5[%swap3A, %swap3A_25], %add3A_24 {strides = array<i32>} : memref<640x128xf32, #tpu.memory_space<vmem>>, vector<640x128xf32>,
    return
  }
  func.func @transform_0(%arg0: i32) -> (i32, i32, i32) {
    %c0_i32 = arith.constant 0 : i32
    %c0_i32_0 = arith.constant 0 : i32
    %c0_i32_1 = arith.constant 0 : i32
    return %c0_i32, %arg0, %c0_i32_0 : i32, i32, i32
  }
  func.func @transform_1(%arg0: i32) -> (i32, i32) {
    %c0_i32 = arith.constant 0 : i32
    %c0_i32_0 = arith.constant 0 : i32
    return %arg0, %c0_i32 : i32, i32
  }
  func.func @transform_2(%arg0: i32) -> (i32, i32) {
    %c0_i32 = arith.constant 0 : i32
    %c0_i32_0 = arith.constant 0 : i32
    return %arg0, %c0_i32 : i32, i32
  }
  func.func @transform_3(%arg0: i32) -> (i32, i32) {
    %c0_i32 = arith.constant 0 : i32
    %c0_i32_0 = arith.constant 0 : i32
    %c0_i32_1 = arith.constant 0 : i32
    return %c0_i32, %c0_i32_0 : i32, i32
  }
  func.func @transform_4(%arg0: i32) -> (i32, i32) {
    %c0_i32 = arith.constant 0 : i32
    %c0_i32_0 = arith.constant 0 : i32
    return %arg0, %c0_i32 : i32, i32
  }
}

</mosaic_0001>

<sc_bundles>
// kernel: kernel.11.cloned.1.call-start
scs
__scs_entry_jumppad:
0x0: {  	(pc) =	sbr.rel $0x88, $3  }
0x1: {  	(tag) =	ssettag $0x0;
	lr =	simm.s32 $0x1  }
0x2: {  	[smem:$0x3F9B] =	sst lr;
	_ =	strace $0xD0000000  }
0x3: {  	_ = 	snop  }
0x4: {  	_ = 	snop  }
0x5: {  	_ = 	snop  }
0x6: {  	_ = 	snop  }
0x7: {  	_ = 	snop  }
__scs_overlays_trampoline_lowered:
0x8: {  	[smem:$0x3FAA] =	sst s0  }
0x9: {  	[smem:$0x3FAB] =	sst s1  }
0xa: {  	[smem:$0x3FAC] =	sst s2  }
0xb: {  	[smem:$0x3FAD] =	sst s3  }
0xc: {  	[smem:$0x3FAE] =	sst s4  }
0xd: {  	[smem:$0x3FAF] =	sst s5  }
0xe: {  	[smem:$0x3FB0] =	sst s6  }
0xf: {  	[smem:$0x3FB1] =	sst s7  }
0x10: {  	[smem:$0x3FB2] =	sst s8  }
0x11: {  	[smem:$0x3FB3] =	sst s9;
	s0 =	simm.s32 @!p0 $0x0  }
0x12: {  	s1 =	sld [smem:$0x3F99];
	s0 =	simm.s32 @p0 $0x1  }
0x13: {  	[smem:$0x3FB4] =	sst s0;
	s0 =	simm.s32 @!p1 $0x0  }
0x14: {  	s2 =	sld [smem:$0x3F98];
	s0 =	simm.s32 @p1 $0x1  }
0x15: {  	[smem:$0x3FB5] =	sst s0;
	s0 =	simm.s32 @!p2 $0x0  }
0x16: {  	s3 =	sld [smem:$0x3FDB];
	s0 =	simm.s32 @p2 $0x1  }
0x17: {  	s4 =	simm.s32 $0x1BF5;
	[smem:$0x3FB7] =	sst s0  }
0x18: {  	s0 =	sld [smem:$0x3F9A];
	_ =	swait.ge [sflag:s4], $0x0  }
0x19: {  	s7 =	sld [smem:$0x3F9B]  }
0x1a: {  	s8 =	sadd.s32 $0xFFFFE003, lr  }
0x1b: {  	s9 =	sadd.s32 $0xFFFFFEF7, lr;
	s5 =	simm.s32 $0xFFFFFFFF;
	p2 =	slt.u32 s8, $0xFFFFF086  }
0x1c: {  	p1 =	slt.u32 s9, $0xF7A;
	s5 =	simm.s32 @!p2 $0x0  }
0x1d: {  	s5 =	simm.s32 @p1 $0x1;
	p0 =	seq.s32 s7, s2  }
0x1e: {  	s7 =	smul.u32 @!p0 $0xF7A, s2;
	p2 =	seq.s32 @!p0 s5, $0x0  }
0x1f: {  	s9 =	smul.u32 $0xF7A, s1;
	s8 =	simm.s32 @!p0 $0x1BF5;
	p2 =	por !p2, p0  }
0x20: {  	[sflag:s8] =	ssyncset.s32 @!p0 $0xFFFFF086;
	s6 =	sadd.s32 @!p0 s3, s7;
	s7 =	simm.s32 @!p0 $0x108  }
0x21: {  	s3 =	sadd.s32 s3, s9;
	s6 =	sadd.s32 @!p0 $0x88, s6;
	s7 =	simm.s32 @p2 $0x1082  }
0x22: {  	[simem:s7], [sflag:s8] =	dma.local @!p0 [hbm:s6], $0xF7A  }
0x23: {  	s9 =	sor.u32 $0xD0000000, s2;
	s6 =	simm.s32 $0x108;
	_ =	swait.ge @!p0 [sflag:s8], $0x0  }
0x24: {  	s3 =	sadd.s32 $0x88, s3;
	s6 =	simm.s32 @!p1 $0x1082;
	[sflag:s4] =	ssyncset.s32 $0xFFFFF086  }
0x25: {  	[simem:s6], [sflag:s4] =	dma.local [hbm:s3], $0xF7A  }
0x26: {  	[smem:$0x3F9B] =	sst s1;
	(tag) =	ssettag s2;
	_ =	strace s9  }
0x27: {  	s1 =	sld [smem:$0x3FAB]  }
0x28: {  	s2 =	sld [smem:$0x3FAC]  }
0x29: {  	s4 =	sld [smem:$0x3FAE]  }
0x2a: {  	p0 =	seq.s32 s5, $0x0;
	s5 =	sld [smem:$0x3FAF]  }
0x2b: {  	s6 =	sld [smem:$0x3FB0]  }
0x2c: {  	s7 =	sld [smem:$0x3FB1]  }
0x2d: {  	s3 =	simm.s32 $0x108;
	s8 =	sld [smem:$0x3FB2]  }
0x2e: {  	s3 =	simm.s32 @!p0 $0x1082;
	s9 =	sld [smem:$0x3FB3]  }
0x2f: {  	lr =	sadd.s32 s0, s3;
	s0 =	sld [smem:$0x3FAA]  }
0x30: {  	s3 =	sld [smem:$0x3FAD]  }
0x31: {  	[smem:$0x3FB6] =	sst s10  }
0x32: {  	s10 =	sld [smem:$0x3FB4];
	_ =	sdelay $0x3  }
0x33: {  	p0 =	seq.s32 s10, $0x1;
	s10 =	sld [smem:$0x3FB6];
	_ =	sdelay $0x3  }
0x34: {  	[smem:$0x3FB6] =	sst s10  }
0x35: {  	s10 =	sld [smem:$0x3FB5];
	_ =	sdelay $0x3  }
0x36: {  	p1 =	seq.s32 s10, $0x1;
	s10 =	sld [smem:$0x3FB6];
	_ =	sdelay $0x3  }
0x37: {  	[smem:$0x3FB6] =	sst s10  }
0x38: {  	s10 =	sld [smem:$0x3FB7]  }
0x39: {  	_ = 	snop;
	(pc) =	sbr.ind lr, $3  }
0x3a: {  	_ = 	snop  }
0x3b: {  	_ = 	snop  }
0x3c: {  	p2 =	seq.s32 s10, $0x1;
	s10 =	sld [smem:$0x3FB6]  }
0x3d: {  	_ =	shalt  }
0x3e: {  	_ =	shalt  }
0x3f: {  	_ =	shalt  }
0x40: {  	_ =	shalt  }
0x41: {  	_ =	shalt  }
0x42: {  	_ =	shalt  }
0x43: {  	_ =	shalt  }
0x44: {  	_ =	shalt  }
0x45: {  	_ =	shalt  }
0x46: {  	_ =	shalt  }
0x47: {  	_ =	shalt  }
0x48: {  	_ =	shalt  }
0x49: {  	_ =	shalt  }
0x4a: {  	_ =	shalt  }
0x4b: {  	_ =	shalt  }
0x4c: {  	_ =	shalt  }
0x4d: {  	_ =	shalt  }
0x4e: {  	_ =	shalt  }
0x4f: {  	_ =	shalt  }
0x50: {  	_ =	shalt  }
0x51: {  	_ =	shalt  }
0x52: {  	_ =	shalt  }
0x53: {  	_ =	shalt  }
0x54: {  	_ =	shalt  }
0x55: {  	_ =	shalt  }
0x56: {  	_ =	shalt  }
0x57: {  	_ =	shalt  }
0x58: {  	_ =	shalt  }
0x59: {  	_ =	shalt  }
0x5a: {  	_ =	shalt  }
0x5b: {  	_ =	shalt  }
0x5c: {  	_ =	shalt  }
0x5d: {  	_ =	shalt  }
0x5e: {  	_ =	shalt  }
0x5f: {  	_ =	shalt  }
0x60: {  	_ =	shalt  }
0x61: {  	_ =	shalt  }
0x62: {  	_ =	shalt  }
0x63: {  	_ =	shalt  }
0x64: {  	_ =	shalt  }
0x65: {  	_ =	shalt  }
0x66: {  	_ =	shalt  }
0x67: {  	_ =	shalt  }
0x68: {  	_ =	shalt  }
0x69: {  	_ =	shalt  }
0x6a: {  	_ =	shalt  }
0x6b: {  	_ =	shalt  }
0x6c: {  	_ =	shalt  }
0x6d: {  	_ =	shalt  }
0x6e: {  	_ =	shalt  }
0x6f: {  	_ =	shalt  }
0x70: {  	_ =	shalt  }
0x71: {  	_ =	shalt  }
0x72: {  	_ =	shalt  }
0x73: {  	_ =	shalt  }
0x74: {  	_ =	shalt  }
0x75: {  	_ =	shalt  }
0x76: {  	_ =	shalt  }
0x77: {  	_ =	shalt  }
0x78: {  	_ =	shalt  }
0x79: {  	_ =	shalt  }
0x7a: {  	_ =	shalt  }
0x7b: {  	_ =	shalt  }
0x7c: {  	_ =	shalt  }
0x7d: {  	_ =	shalt  }
0x7e: {  	_ =	shalt  }
0x7f: {  	_ =	shalt  }
0x80: {  	_ =	shalt  }
0x81: {  	_ =	shalt  }
0x82: {  	_ =	shalt  }
0x83: {  	_ =	shalt  }
0x84: {  	_ =	shalt  }
0x85: {  	_ =	shalt  }
0x86: {  	_ =	shalt  }
0x87: {  	_ =	shalt  }
.Lfunc_end0:
.L_simem_size_0:
called_computation.1_lowered:
.L_overlay_start_0:
0x88: {  	s2 =	sld [smem:$0x3FD9]  }
0x89: {  	s3 =	sld [smem:$0x3FFE];
	_ =	sdelay $0x1  }
0x8a: {  	s1 =	srdreg.scid  }
0x8b: {  	s0 =	sand.u32 $0x1, s1  }
0x8c: {  	s17 =	sshll.u32 s0, $0xA;
	s2 =	sadd.s32 s3, s2  }
0x8d: {  	s2 =	sadd.s32 s2, s17  }
0x8e: {  	[smem:$0x3FC2] =	sst s2  }
0x8f: {  	_ = 	snop  }
0x90: {  	s2 =	sld [smem:$0x3FD0];
	(tm) =	ssettm $0x1  }
0x91: {  	s18 =	sld [smem:$0x3FFB];
	_ =	sdelay $0x3  }
0x92: {  	_ =	strace s18  }
0x93: {  	s3 =	sld [smem:$0x3FFC];
	_ =	sdelay $0x3  }
0x94: {  	_ =	strace s3  }
0x95: {  	s3 =	sld [smem:$0x3FFD];
	_ =	sdelay $0x3  }
0x96: {  	_ =	strace s3  }
0x97: {  	_ =	strace $0x8FFFFFFF  }
0x98: {  	s19 =	sld [smem:$0x3FDB];
	_ =	sdelay $0x1  }
0x99: {  	s4 =	simm.s32 $_scs_section_size  }
0x9a: {  	s5 =	simm.s32 $_size__tile_overlayer_lowered;
	s6 =	simm.s32 $_tile_overlayer_lowered  }
0x9b: {  	s22 =	simm.s32 $0x1BFF;
	s21 =	sshll.u32 s6, $0x1;
	s3 =	sadd.s32 s4, s19  }
0x9c: {  	s7 =	simm.s32 $0x0;
	s20 =	sshll.u32 s5, $0x1;
	s5 =	sadd.s32 s21, s3  }
0x9d: {  	[timem:s7], [sflag:s22] =	dma.local [hbm:s5], s20  }
0x9e: {  	_ =	swait.ge [sflag:s22], s20  }
0x9f: {  	s4 =	ssub.s32 $0x0, s20;
	[sflag:s22] =	ssyncset.done $0x0  }
0xa0: {  	[sflag:s22] =	ssyncadd.s32 s4;
	_ =	sdelay $0x1  }
0xa1: {  	s23 =	simm.s32 $0x1B8B  }
0xa2: {  	_ =	swait.ge [sflag:s23], $0x1  }
0xa3: {  	[sflag:s23] =	ssyncset.done $0x0  }
0xa4: {  	s25 =	simm.s32 $0x1B8E;
	s24 =	sld [smem:$0x3FFE];
	[sflag:s23] =	ssyncadd.s32 $0xFFFFFFFF  }
0xa5: {  	s26 =	simm.s32 $execute0_lowered;
	[smem:$0x3FD2] =	sst s25  }
0xa6: {  	s5 =	sshll.u32 s26, $0x1;
	_ =	strace $0x80000049;
	[dreg:$0x1] =	wrdreg $0xFFFFFFFF  }
0xa7: {  	s28 =	simm.s32 $_size_execute0_lowered;
	s3 =	sadd.s32 s3, s5;
	[dreg:$0x0] =	wrdreg $0x0  }
0xa8: {  	s5 =	sshll.u32 s28, $0x1;
	[dreg:$0x2] =	wrdreg s3  }
0xa9: {  	[dreg:$0x3] =	wrdreg s5  }
0xaa: {  	[dreg:$0x4] =	wrdreg $0xC0  }
0xab: {  	_ =	task [dreg:s7], $0x5FFFF  }
0xac: {  	[dreg:$0x1] =	wrdreg $0xFFFFFFFF  }
0xad: {  	[dreg:$0x0] =	wrdreg $0x60  }
0xae: {  	[dreg:$0x2] =	wrdreg s24  }
0xaf: {  	[dreg:$0x3] =	wrdreg s2  }
0xb0: {  	[dreg:$0x4] =	wrdreg $0x0  }
0xb1: {  	[dreg:$0x5] =	wrdreg $0x9  }
0xb2: {  	_ =	task.clear_ibuf [dreg:s7], $0x6FFFF;
	_ =	strace $0x90000049  }
0xb3: {  	s29 =	simm.s32 $0x9;
	_ =	strace $0x8000004B  }
0xb4: {  	_ =	swait.ge [sflag:s29], $0x1  }
0xb5: {  	[sflag:s29] =	ssyncadd.s32 $0xFFFFFFFF  }
0xb6: {  	_ =	strace $0x9000004B  }
0xb7: {  	_ =	sfence  }
0xb8: {  	s30 =	sld [smem:$0x0];
	_ =	sdelay $0x2  }
0xb9: {  	s31 =	sshll.u32 s1, $0xD;
	s1 =	sshrl.u32 s1, $0x2  }
0xba: {  	s3 =	sand.u32 $0x4000, s31;
	s1 =	sadd.s32 s1, s30  }
0xbb: {  	s0 =	sor.u32 s3, s0;
	s1 =	sshll.u32 s1, $0x11  }
0xbc: {  	s0 =	sor.u32 s1, s0  }
0xbd: {  	s0 =	sadd.s32 $0x8F2B, s0  }
0xbe: {  	[sflag:s0] =	ssyncadd.remote.s32 $0x1  }
0xbf: {  	_ =	sfence.sel $0xFFFF  }
0xc0: {  	[dreg:$0x0] =	wrdreg $0xFFFFFFFF;
	(pc) =	sbr.abs _section_cstart, $3  }
0xc1: {  	[dreg:$0x1] =	wrdreg $0xFFFFFFFF  }
0xc2: {  	_ =	task.clear_ibuf [dreg:s7], $0x2FFFF;
	_ =	strace $0x9FFFFFFF  }
0xc3: {  	(tm) =	ssettm $0x7FFFFFFF  }
tec
execute0_lowered:
.L_overlay_start_1:
0x0: {  	(tag) =	ssettag $0x1  }
0x1: {  	s5 =	rddreg [dreg:$0x0]  }
0x2: {  	s0 =	srdreg.scid;
	s6 =	rddreg [dreg:$0x1]  }
0x3: {  	s2 =	rddreg [dreg:$0x2];
	s7 =	sand.u32 $0x1, s0  }
0x4: {  	s0 =	stileid.u32;
	s4 =	smul.u32 $0x38000, s7  }
0x5: {  	s1 =	rddreg [dreg:$0x3];
	s3 =	simm.s32 $0x0;
	s8 =	smul.u32 $0x3800, s0  }
0x6: {  	s15 =	simm.s32 $0x1B000;
	s16 =	simm.s32 $0x1;
	s9 =	smul.u32 $0x140000, s7  }
0x7: {  	s17 =	simm.s32 $0x0;
	[smem:$0x7FF] =	sst s3;
	s26 =	smul.u32 $0x14000, s0  }
0x8: {  	s13 =	sadd.s32 $0xBC00, s5;
	_ =	strace $0x8000004A;
	s12 =	smul.u32 $0x50000, s0  }
0x9: {  	s28 =	ssub.s32 $0x2, s7;
	p0 =	seq.s32 s7, $0x0;
	s14 =	smul.u32 $0x2800, s0  }
0xa: {  	s31 =	sshll.u32 s0, $0x6;
	s29 =	sshrl.u32 s28, $0x1;
	s4 =	sadd.s32 s8, s4  }
0xb: {  	s8 =	sadd.s32 s26, s9;
	s9 =	ssub.s32 s28, s29;
	s30 =	sshrl.u32 s12, $0x2  }
0xc: {  	s10 =	sshrl.u32 s4, $0x3;
	s4 =	sadd.s32 $0x33C00, s5;
	s8 =	sshrl.u32 s8, $0x3  }
0xd: {  	s12 =	sadd.s32 s30, s2;
	s11 =	sadd.s32 s10, s5;
	s8 =	sadd.s32 s8, s5  }
0xe: {  	s5 =	sadd.s32 s6, s10;
	s13 =	smov.u32 @p0 s4;
	s12 =	sshrl.u32 s12, $0x3  }
0xf: {  	s6 =	sadd.s32 $0x83C00, s11;
	s7 =	sadd.s32 $0x91C00, s8;
	s8 =	smax.u32 s9, $0x1  }
0x10: {  	s9 =	simm.s32 $0x69;
	s10 =	sadd.s32 s13, s14;
	s11 =	sor.u32 $0x1C02, s31  }
0x11: {  	s13 =	simm.s32 $0x2;
	s14 =	simm.s32 $0x80;
	s9 =	simm.s32 @!p0 $0x35  }
.LBB2_1:
0x12: {  	[spmem:s12], [sflag:s11] =	dma.local [hbm:s10], $0x2800  }
0x13: {  	_ =	swait.ge [sflag:s13], $0x2800  }
0x14: {  	[sflag:s13] =	ssyncset.done $0x0  }
0x15: {  	s18 =	simm.s32 $0x14000;
	[sflag:s13] =	ssyncadd.s32 $0xFFFFD800  }
0x16: {  	[tilespmem:s18], [sflag:$0x2] =	stream.linear.gather [hbm4b:s5+s3], $0x3480, $0x38;
	[tilespmem:$0x1F000] =	vst v63  }
0x17: {  	_ =	swait.ge [sflag:s13], $0x3480  }
0x18: {  	[sflag:s13] =	ssyncset.done $0x0  }
0x19: {  	s19 =	simm.s32 $0x17800;
	[sflag:s13] =	ssyncadd.s32 $0xFFFFCB80  }
0x1a: {  	[tilespmem:s19], [sflag:$0x2] =	stream.linear.gather [hbm4b:s6+s3], $0x3480, $0x38;
	[tilespmem:$0x1F000] =	vst v63  }
0x1b: {  	_ =	swait.ge [sflag:s13], $0x3480  }
0x1c: {  	[sflag:s13] =	ssyncset.done $0x0  }
0x1d: {  	[sflag:s13] =	ssyncadd.s32 $0xFFFFCB80  }
0x1e: {  	[bflag:$0x0] =	sbarrier.arrive $0xFFFF  }
0x1f: {  	[tilespmem:s15], [sflag:$0x1] =	stream.indirect.gather [hbm4b:s4+s14], $0x80, s18, s14, $0xb8;
	[tilespmem:$0x1F000] =	vst v63  }
0x20: {  	p0 =	sne.s32 s9, $0x1;
	_ =	swait.ge [sflag:s16], $0x4000  }
.Ltmp0:
0x21: {  	[sflag:s16] =	ssyncset.done $0x0;
	(pc) =	sbr.rel @!p0 .LBB2_3-.Ltmp0, $4  }
0x22: {  	[sflag:s16] =	ssyncadd.s32 $0xFFFFC000  }
0x23: {  	[spmem:s2] =	stream.indirect.scatter.add.f32 [tilespmem:s15], [sflag:$0x2], $0x80, s19, s14, $0xb8;
	[tilespmem:$0x1F000] =	vst v63  }
0x24: {  	_ =	swait.ge [sflag:s13], $0x4000  }
0x25: {  	s20 =	sadd.s32 $0xFFFFFFFF, s9;
	[sflag:s13] =	ssyncset.done $0x0  }
.LBB2_2:
0x26: {  	[sflag:s13] =	ssyncadd.s32 $0xFFFFC000;
	s18 =	sadd.s32 $0x80, s18;
	s19 =	sadd.s32 $0x80, s19  }
0x27: {  	[tilespmem:s15], [sflag:$0x1] =	stream.indirect.gather [hbm4b:s4+s14], $0x80, s18, s14, $0xb8;
	[tilespmem:$0x1F000] =	vst v63  }
0x28: {  	p0 =	sne.s32 s20, $0x1;
	s20 =	sadd.s32 $0xFFFFFFFF, s20;
	_ =	swait.ge [sflag:s16], $0x4000  }
.Ltmp1:
0x29: {  	[sflag:s16] =	ssyncset.done $0x0;
	(pc) =	sbr.rel @p0 .LBB2_2-.Ltmp1, $4  }
0x2a: {  	[sflag:s16] =	ssyncadd.s32 $0xFFFFC000  }
0x2b: {  	[spmem:s2] =	stream.indirect.scatter.add.f32 [tilespmem:s15], [sflag:$0x2], $0x80, s19, s14, $0xb8;
	[tilespmem:$0x1F000] =	vst v63  }
0x2c: {  	_ =	swait.ge [sflag:s13], $0x4000  }
0x2d: {  	[sflag:s13] =	ssyncset.done $0x0  }
.LBB2_3:
0x2e: {  	s17 =	sadd.s32 $0x1, s17  }
0x2f: {  	[sflag:s13] =	ssyncadd.s32 $0xFFFFC000;
	p0 =	sne.s32 s17, s8  }
.Ltmp2:
0x30: {  	[bflag:$0x0] =	sbarrier.arrive $0xFFFF;
	(pc) =	sbr.rel @p0 .LBB2_1-.Ltmp2, $4  }
0x31: {  	[hbm:s7], [sflag:s11] =	dma.local [spmem:s12], $0x2800  }
0x32: {  	_ =	swait.ge [sflag:s13], $0x2800  }
0x33: {  	[sflag:s13] =	ssyncset.done $0x0  }
0x34: {  	[sflag:s13] =	ssyncadd.s32 $0xFFFFD800  }
0x35: {  	_ =	sfence.sel $0x180000  }
0x36: {  	[bflag:$0x0] =	sbarrier.arrive $0xFFFF  }
0x37: {  	p0 =	sne.s32 s0, $0x0;
	_ =	strace $0x9000004A  }
0x38: {  	s0 =	sadd.s32 @!p0 $0x100000, s1;
	[bflag:$0x2] =	sbarrier.arrive $0xFFFF  }
0x39: {  	[sflag:s0] =	ssyncadd.tile.s32 @!p0 $0x1;
	_ =	shalt  }
.Lfunc_end2:
_tile_overlayer_lowered:
.L_overlay_start_2:
0x3a: {  	(tag) =	ssettag $0x2  }
0x3b: {  	s0 =	rddreg [dreg:$0x0];
	s2 =	stileid.u32  }
0x3c: {  	s1 =	rddreg [dreg:$0x1];
	p0 =	sne.s32 s2, $0x0  }
0x3d: {  	s3 =	rddreg [dreg:$0x2];
	[bflag:$0x3] =	sbarrier.arrive $0xFFFF;
	s2 =	simm.s32 @!p0 $0x1C02  }
0x3e: {  	[timem:s3], [sflag:s2] =	dma.local @!p0 [hbm:s0], s1  }
0x3f: {  	s0 =	simm.s32 @!p0 $0x2  }
0x40: {  	_ =	swait.ge @!p0 [sflag:s0], s1  }
0x41: {  	s1 =	ssub.s32 @!p0 $0x0, s1;
	[sflag:s0] =	ssyncset.done @!p0 $0x0  }
0x42: {  	[sflag:s0] =	ssyncadd.s32 @!p0 s1  }
0x43: {  	[bflag:$0x3] =	sbarrier.arrive $0xFFFF  }
0x44: {  	_ =	shalt  }

// kernel: kernel.14.cloned.1.call-start
scs
__scs_entry_jumppad:
0x0: {  	(pc) =	sbr.rel $0x88, $3  }
0x1: {  	(tag) =	ssettag $0x0;
	lr =	simm.s32 $0x1  }
0x2: {  	[smem:$0x3F9B] =	sst lr;
	_ =	strace $0xD0000000  }
0x3: {  	_ = 	snop  }
0x4: {  	_ = 	snop  }
0x5: {  	_ = 	snop  }
0x6: {  	_ = 	snop  }
0x7: {  	_ = 	snop  }
__scs_overlays_trampoline_lowered:
0x8: {  	[smem:$0x3FAA] =	sst s0  }
0x9: {  	[smem:$0x3FAB] =	sst s1  }
0xa: {  	[smem:$0x3FAC] =	sst s2  }
0xb: {  	[smem:$0x3FAD] =	sst s3  }
0xc: {  	[smem:$0x3FAE] =	sst s4  }
0xd: {  	[smem:$0x3FAF] =	sst s5  }
0xe: {  	[smem:$0x3FB0] =	sst s6  }
0xf: {  	[smem:$0x3FB1] =	sst s7  }
0x10: {  	[smem:$0x3FB2] =	sst s8  }
0x11: {  	[smem:$0x3FB3] =	sst s9;
	s0 =	simm.s32 @!p0 $0x0  }
0x12: {  	s1 =	sld [smem:$0x3F99];
	s0 =	simm.s32 @p0 $0x1  }
0x13: {  	[smem:$0x3FB4] =	sst s0;
	s0 =	simm.s32 @!p1 $0x0  }
0x14: {  	s2 =	sld [smem:$0x3F98];
	s0 =	simm.s32 @p1 $0x1  }
0x15: {  	[smem:$0x3FB5] =	sst s0;
	s0 =	simm.s32 @!p2 $0x0  }
0x16: {  	s3 =	sld [smem:$0x3FDB];
	s0 =	simm.s32 @p2 $0x1  }
0x17: {  	s4 =	simm.s32 $0x1BF5;
	[smem:$0x3FB7] =	sst s0  }
0x18: {  	s0 =	sld [smem:$0x3F9A];
	_ =	swait.ge [sflag:s4], $0x0  }
0x19: {  	s7 =	sld [smem:$0x3F9B]  }
0x1a: {  	s8 =	sadd.s32 $0xFFFFE003, lr  }
0x1b: {  	s9 =	sadd.s32 $0xFFFFFEF7, lr;
	s5 =	simm.s32 $0xFFFFFFFF;
	p2 =	slt.u32 s8, $0xFFFFF086  }
0x1c: {  	p1 =	slt.u32 s9, $0xF7A;
	s5 =	simm.s32 @!p2 $0x0  }
0x1d: {  	s5 =	simm.s32 @p1 $0x1;
	p0 =	seq.s32 s7, s2  }
0x1e: {  	s7 =	smul.u32 @!p0 $0xF7A, s2;
	p2 =	seq.s32 @!p0 s5, $0x0  }
0x1f: {  	s9 =	smul.u32 $0xF7A, s1;
	s8 =	simm.s32 @!p0 $0x1BF5;
	p2 =	por !p2, p0  }
0x20: {  	[sflag:s8] =	ssyncset.s32 @!p0 $0xFFFFF086;
	s6 =	sadd.s32 @!p0 s3, s7;
	s7 =	simm.s32 @!p0 $0x108  }
0x21: {  	s3 =	sadd.s32 s3, s9;
	s6 =	sadd.s32 @!p0 $0x88, s6;
	s7 =	simm.s32 @p2 $0x1082  }
0x22: {  	[simem:s7], [sflag:s8] =	dma.local @!p0 [hbm:s6], $0xF7A  }
0x23: {  	s9 =	sor.u32 $0xD0000000, s2;
	s6 =	simm.s32 $0x108;
	_ =	swait.ge @!p0 [sflag:s8], $0x0  }
0x24: {  	s3 =	sadd.s32 $0x88, s3;
	s6 =	simm.s32 @!p1 $0x1082;
	[sflag:s4] =	ssyncset.s32 $0xFFFFF086  }
0x25: {  	[simem:s6], [sflag:s4] =	dma.local [hbm:s3], $0xF7A  }
0x26: {  	[smem:$0x3F9B] =	sst s1;
	(tag) =	ssettag s2;
	_ =	strace s9  }
0x27: {  	s1 =	sld [smem:$0x3FAB]  }
0x28: {  	s2 =	sld [smem:$0x3FAC]  }
0x29: {  	s4 =	sld [smem:$0x3FAE]  }
0x2a: {  	p0 =	seq.s32 s5, $0x0;
	s5 =	sld [smem:$0x3FAF]  }
0x2b: {  	s6 =	sld [smem:$0x3FB0]  }
0x2c: {  	s7 =	sld [smem:$0x3FB1]  }
0x2d: {  	s3 =	simm.s32 $0x108;
	s8 =	sld [smem:$0x3FB2]  }
0x2e: {  	s3 =	simm.s32 @!p0 $0x1082;
	s9 =	sld [smem:$0x3FB3]  }
0x2f: {  	lr =	sadd.s32 s0, s3;
	s0 =	sld [smem:$0x3FAA]  }
0x30: {  	s3 =	sld [smem:$0x3FAD]  }
0x31: {  	[smem:$0x3FB6] =	sst s10  }
0x32: {  	s10 =	sld [smem:$0x3FB4];
	_ =	sdelay $0x3  }
0x33: {  	p0 =	seq.s32 s10, $0x1;
	s10 =	sld [smem:$0x3FB6];
	_ =	sdelay $0x3  }
0x34: {  	[smem:$0x3FB6] =	sst s10  }
0x35: {  	s10 =	sld [smem:$0x3FB5];
	_ =	sdelay $0x3  }
0x36: {  	p1 =	seq.s32 s10, $0x1;
	s10 =	sld [smem:$0x3FB6];
	_ =	sdelay $0x3  }
0x37: {  	[smem:$0x3FB6] =	sst s10  }
0x38: {  	s10 =	sld [smem:$0x3FB7]  }
0x39: {  	_ = 	snop;
	(pc) =	sbr.ind lr, $3  }
0x3a: {  	_ = 	snop  }
0x3b: {  	_ = 	snop  }
0x3c: {  	p2 =	seq.s32 s10, $0x1;
	s10 =	sld [smem:$0x3FB6]  }
0x3d: {  	_ =	shalt  }
0x3e: {  	_ =	shalt  }
0x3f: {  	_ =	shalt  }
0x40: {  	_ =	shalt  }
0x41: {  	_ =	shalt  }
0x42: {  	_ =	shalt  }
0x43: {  	_ =	shalt  }
0x44: {  	_ =	shalt  }
0x45: {  	_ =	shalt  }
0x46: {  	_ =	shalt  }
0x47: {  	_ =	shalt  }
0x48: {  	_ =	shalt  }
0x49: {  	_ =	shalt  }
0x4a: {  	_ =	shalt  }
0x4b: {  	_ =	shalt  }
0x4c: {  	_ =	shalt  }
0x4d: {  	_ =	shalt  }
0x4e: {  	_ =	shalt  }
0x4f: {  	_ =	shalt  }
0x50: {  	_ =	shalt  }
0x51: {  	_ =	shalt  }
0x52: {  	_ =	shalt  }
0x53: {  	_ =	shalt  }
0x54: {  	_ =	shalt  }
0x55: {  	_ =	shalt  }
0x56: {  	_ =	shalt  }
0x57: {  	_ =	shalt  }
0x58: {  	_ =	shalt  }
0x59: {  	_ =	shalt  }
0x5a: {  	_ =	shalt  }
0x5b: {  	_ =	shalt  }
0x5c: {  	_ =	shalt  }
0x5d: {  	_ =	shalt  }
0x5e: {  	_ =	shalt  }
0x5f: {  	_ =	shalt  }
0x60: {  	_ =	shalt  }
0x61: {  	_ =	shalt  }
0x62: {  	_ =	shalt  }
0x63: {  	_ =	shalt  }
0x64: {  	_ =	shalt  }
0x65: {  	_ =	shalt  }
0x66: {  	_ =	shalt  }
0x67: {  	_ =	shalt  }
0x68: {  	_ =	shalt  }
0x69: {  	_ =	shalt  }
0x6a: {  	_ =	shalt  }
0x6b: {  	_ =	shalt  }
0x6c: {  	_ =	shalt  }
0x6d: {  	_ =	shalt  }
0x6e: {  	_ =	shalt  }
0x6f: {  	_ =	shalt  }
0x70: {  	_ =	shalt  }
0x71: {  	_ =	shalt  }
0x72: {  	_ =	shalt  }
0x73: {  	_ =	shalt  }
0x74: {  	_ =	shalt  }
0x75: {  	_ =	shalt  }
0x76: {  	_ =	shalt  }
0x77: {  	_ =	shalt  }
0x78: {  	_ =	shalt  }
0x79: {  	_ =	shalt  }
0x7a: {  	_ =	shalt  }
0x7b: {  	_ =	shalt  }
0x7c: {  	_ =	shalt  }
0x7d: {  	_ =	shalt  }
0x7e: {  	_ =	shalt  }
0x7f: {  	_ =	shalt  }
0x80: {  	_ =	shalt  }
0x81: {  	_ =	shalt  }
0x82: {  	_ =	shalt  }
0x83: {  	_ =	shalt  }
0x84: {  	_ =	shalt  }
0x85: {  	_ =	shalt  }
0x86: {  	_ =	shalt  }
0x87: {  	_ =	shalt  }
.Lfunc_end0:
.L_simem_size_0:
called_computation.2_lowered:
.L_overlay_start_0:
0x88: {  	s2 =	sld [smem:$0x3FD9]  }
0x89: {  	s3 =	sld [smem:$0x3FFE];
	_ =	sdelay $0x1  }
0x8a: {  	s1 =	srdreg.scid  }
0x8b: {  	s0 =	sand.u32 $0x1, s1  }
0x8c: {  	s17 =	sshll.u32 s0, $0xA;
	s2 =	sadd.s32 s3, s2  }
0x8d: {  	s2 =	sadd.s32 s2, s17  }
0x8e: {  	[smem:$0x3FC2] =	sst s2  }
0x8f: {  	_ = 	snop  }
0x90: {  	s2 =	sld [smem:$0x3FD0];
	(tm) =	ssettm $0x1  }
0x91: {  	s18 =	sld [smem:$0x3FFB];
	_ =	sdelay $0x3  }
0x92: {  	_ =	strace s18  }
0x93: {  	s3 =	sld [smem:$0x3FFC];
	_ =	sdelay $0x3  }
0x94: {  	_ =	strace s3  }
0x95: {  	s3 =	sld [smem:$0x3FFD];
	_ =	sdelay $0x3  }
0x96: {  	_ =	strace s3  }
0x97: {  	_ =	strace $0x8FFFFFFF  }
0x98: {  	s19 =	sld [smem:$0x3FDB];
	_ =	sdelay $0x1  }
0x99: {  	s4 =	simm.s32 $_scs_section_size  }
0x9a: {  	s5 =	simm.s32 $_size__tile_overlayer_lowered;
	s6 =	simm.s32 $_tile_overlayer_lowered  }
0x9b: {  	s22 =	simm.s32 $0x1BFF;
	s21 =	sshll.u32 s6, $0x1;
	s3 =	sadd.s32 s4, s19  }
0x9c: {  	s7 =	simm.s32 $0x0;
	s20 =	sshll.u32 s5, $0x1;
	s5 =	sadd.s32 s21, s3  }
0x9d: {  	[timem:s7], [sflag:s22] =	dma.local [hbm:s5], s20  }
0x9e: {  	_ =	swait.ge [sflag:s22], s20  }
0x9f: {  	s4 =	ssub.s32 $0x0, s20;
	[sflag:s22] =	ssyncset.done $0x0  }
0xa0: {  	[sflag:s22] =	ssyncadd.s32 s4;
	_ =	sdelay $0x1  }
0xa1: {  	s23 =	simm.s32 $0x1B8B  }
0xa2: {  	_ =	swait.ge [sflag:s23], $0x1  }
0xa3: {  	[sflag:s23] =	ssyncset.done $0x0  }
0xa4: {  	s25 =	simm.s32 $0x1B8E;
	s24 =	sld [smem:$0x3FFE];
	[sflag:s23] =	ssyncadd.s32 $0xFFFFFFFF  }
0xa5: {  	s26 =	simm.s32 $execute0_lowered;
	[smem:$0x3FD2] =	sst s25  }
0xa6: {  	s5 =	sshll.u32 s26, $0x1;
	_ =	strace $0x8000004C;
	[dreg:$0x1] =	wrdreg $0xFFFFFFFF  }
0xa7: {  	s28 =	simm.s32 $_size_execute0_lowered;
	s3 =	sadd.s32 s3, s5;
	[dreg:$0x0] =	wrdreg $0x0  }
0xa8: {  	s5 =	sshll.u32 s28, $0x1;
	[dreg:$0x2] =	wrdreg s3  }
0xa9: {  	[dreg:$0x3] =	wrdreg s5  }
0xaa: {  	[dreg:$0x4] =	wrdreg $0xC0  }
0xab: {  	_ =	task [dreg:s7], $0x5FFFF  }
0xac: {  	[dreg:$0x1] =	wrdreg $0xFFFFFFFF  }
0xad: {  	[dreg:$0x0] =	wrdreg $0x60  }
0xae: {  	[dreg:$0x2] =	wrdreg s24  }
0xaf: {  	[dreg:$0x3] =	wrdreg s2  }
0xb0: {  	[dreg:$0x4] =	wrdreg $0x0  }
0xb1: {  	[dreg:$0x5] =	wrdreg $0x9  }
0xb2: {  	_ =	task.clear_ibuf [dreg:s7], $0x6FFFF;
	_ =	strace $0x9000004C  }
0xb3: {  	s29 =	simm.s32 $0x9;
	_ =	strace $0x8000004E  }
0xb4: {  	_ =	swait.ge [sflag:s29], $0x1  }
0xb5: {  	[sflag:s29] =	ssyncadd.s32 $0xFFFFFFFF  }
0xb6: {  	_ =	strace $0x9000004E  }
0xb7: {  	_ =	sfence  }
0xb8: {  	s30 =	sld [smem:$0x0];
	_ =	sdelay $0x2  }
0xb9: {  	s31 =	sshll.u32 s1, $0xD;
	s1 =	sshrl.u32 s1, $0x2  }
0xba: {  	s3 =	sand.u32 $0x4000, s31;
	s1 =	sadd.s32 s1, s30  }
0xbb: {  	s0 =	sor.u32 s3, s0;
	s1 =	sshll.u32 s1, $0x11  }
0xbc: {  	s0 =	sor.u32 s1, s0  }
0xbd: {  	s0 =	sadd.s32 $0x8F2B, s0  }
0xbe: {  	[sflag:s0] =	ssyncadd.remote.s32 $0x1  }
0xbf: {  	_ =	sfence.sel $0xFFFF  }
0xc0: {  	[dreg:$0x0] =	wrdreg $0xFFFFFFFF;
	(pc) =	sbr.abs _section_cstart, $3  }
0xc1: {  	[dreg:$0x1] =	wrdreg $0xFFFFFFFF  }
0xc2: {  	_ =	task.clear_ibuf [dreg:s7], $0x2FFFF;
	_ =	strace $0x9FFFFFFF  }
0xc3: {  	(tm) =	ssettm $0x7FFFFFFF  }
tec
execute0_lowered:
.L_overlay_start_1:
0x0: {  	(tag) =	ssettag $0x1  }
0x1: {  	s5 =	rddreg [dreg:$0x0]  }
0x2: {  	s0 =	srdreg.scid;
	s6 =	rddreg [dreg:$0x1]  }
0x3: {  	s2 =	rddreg [dreg:$0x2];
	s7 =	sand.u32 $0x1, s0  }
0x4: {  	s0 =	stileid.u32;
	s4 =	smul.u32 $0x38000, s7  }
0x5: {  	s1 =	rddreg [dreg:$0x3];
	s3 =	simm.s32 $0x0;
	s8 =	smul.u32 $0x3800, s0  }
0x6: {  	s15 =	simm.s32 $0x1B000;
	s16 =	simm.s32 $0x1;
	s9 =	smul.u32 $0x140000, s7  }
0x7: {  	s17 =	simm.s32 $0x0;
	[smem:$0x7FF] =	sst s3;
	s26 =	smul.u32 $0x14000, s0  }
0x8: {  	s13 =	sadd.s32 $0xBC00, s5;
	_ =	strace $0x8000004D;
	s12 =	smul.u32 $0x50000, s0  }
0x9: {  	s28 =	ssub.s32 $0x2, s7;
	p0 =	seq.s32 s7, $0x0;
	s14 =	smul.u32 $0x2800, s0  }
0xa: {  	s31 =	sshll.u32 s0, $0x6;
	s29 =	sshrl.u32 s28, $0x1;
	s4 =	sadd.s32 s8, s4  }
0xb: {  	s8 =	sadd.s32 s26, s9;
	s9 =	ssub.s32 s28, s29;
	s30 =	sshrl.u32 s12, $0x2  }
0xc: {  	s10 =	sshrl.u32 s4, $0x3;
	s4 =	sadd.s32 $0x33C00, s5;
	s8 =	sshrl.u32 s8, $0x3  }
0xd: {  	s12 =	sadd.s32 s30, s2;
	s11 =	sadd.s32 s10, s5;
	s8 =	sadd.s32 s8, s5  }
0xe: {  	s5 =	sadd.s32 s6, s10;
	s13 =	smov.u32 @p0 s4;
	s12 =	sshrl.u32 s12, $0x3  }
0xf: {  	s6 =	sadd.s32 $0x83C00, s11;
	s7 =	sadd.s32 $0x91C00, s8;
	s8 =	smax.u32 s9, $0x1  }
0x10: {  	s9 =	simm.s32 $0x69;
	s10 =	sadd.s32 s13, s14;
	s11 =	sor.u32 $0x1C02, s31  }
0x11: {  	s13 =	simm.s32 $0x2;
	s14 =	simm.s32 $0x80;
	s9 =	simm.s32 @!p0 $0x35  }
.LBB2_1:
0x12: {  	[spmem:s12], [sflag:s11] =	dma.local [hbm:s10], $0x2800  }
0x13: {  	_ =	swait.ge [sflag:s13], $0x2800  }
0x14: {  	[sflag:s13] =	ssyncset.done $0x0  }
0x15: {  	s18 =	simm.s32 $0x14000;
	[sflag:s13] =	ssyncadd.s32 $0xFFFFD800  }
0x16: {  	[tilespmem:s18], [sflag:$0x2] =	stream.linear.gather [hbm4b:s5+s3], $0x3480, $0x38;
	[tilespmem:$0x1F000] =	vst v63  }
0x17: {  	_ =	swait.ge [sflag:s13], $0x3480  }
0x18: {  	[sflag:s13] =	ssyncset.done $0x0  }
0x19: {  	s19 =	simm.s32 $0x17800;
	[sflag:s13] =	ssyncadd.s32 $0xFFFFCB80  }
0x1a: {  	[tilespmem:s19], [sflag:$0x2] =	stream.linear.gather [hbm4b:s6+s3], $0x3480, $0x38;
	[tilespmem:$0x1F000] =	vst v63  }
0x1b: {  	_ =	swait.ge [sflag:s13], $0x3480  }
0x1c: {  	[sflag:s13] =	ssyncset.done $0x0  }
0x1d: {  	[sflag:s13] =	ssyncadd.s32 $0xFFFFCB80  }
0x1e: {  	[bflag:$0x0] =	sbarrier.arrive $0xFFFF  }
0x1f: {  	[tilespmem:s15], [sflag:$0x1] =	stream.indirect.gather [hbm4b:s4+s14], $0x80, s18, s14, $0xb8;
	[tilespmem:$0x1F000] =	vst v63  }
0x20: {  	p0 =	sne.s32 s9, $0x1;
	_ =	swait.ge [sflag:s16], $0x4000  }
.Ltmp0:
0x21: {  	[sflag:s16] =	ssyncset.done $0x0;
	(pc) =	sbr.rel @!p0 .LBB2_3-.Ltmp0, $4  }
0x22: {  	[sflag:s16] =	ssyncadd.s32 $0xFFFFC000  }
0x23: {  	[spmem:s2] =	stream.indirect.scatter.add.f32 [tilespmem:s15], [sflag:$0x2], $0x80, s19, s14, $0xb8;
	[tilespmem:$0x1F000] =	vst v63  }
0x24: {  	_ =	swait.ge [sflag:s13], $0x4000  }
0x25: {  	s20 =	sadd.s32 $0xFFFFFFFF, s9;
	[sflag:s13] =	ssyncset.done $0x0  }
.LBB2_2:
0x26: {  	[sflag:s13] =	ssyncadd.s32 $0xFFFFC000;
	s18 =	sadd.s32 $0x80, s18;
	s19 =	sadd.s32 $0x80, s19  }
0x27: {  	[tilespmem:s15], [sflag:$0x1] =	stream.indirect.gather [hbm4b:s4+s14], $0x80, s18, s14, $0xb8;
	[tilespmem:$0x1F000] =	vst v63  }
0x28: {  	p0 =	sne.s32 s20, $0x1;
	s20 =	sadd.s32 $0xFFFFFFFF, s20;
	_ =	swait.ge [sflag:s16], $0x4000  }
.Ltmp1:
0x29: {  	[sflag:s16] =	ssyncset.done $0x0;
	(pc) =	sbr.rel @p0 .LBB2_2-.Ltmp1, $4  }
0x2a: {  	[sflag:s16] =	ssyncadd.s32 $0xFFFFC000  }
0x2b: {  	[spmem:s2] =	stream.indirect.scatter.add.f32 [tilespmem:s15], [sflag:$0x2], $0x80, s19, s14, $0xb8;
	[tilespmem:$0x1F000] =	vst v63  }
0x2c: {  	_ =	swait.ge [sflag:s13], $0x4000  }
0x2d: {  	[sflag:s13] =	ssyncset.done $0x0  }
.LBB2_3:
0x2e: {  	s17 =	sadd.s32 $0x1, s17  }
0x2f: {  	[sflag:s13] =	ssyncadd.s32 $0xFFFFC000;
	p0 =	sne.s32 s17, s8  }
.Ltmp2:
0x30: {  	[bflag:$0x0] =	sbarrier.arrive $0xFFFF;
	(pc) =	sbr.rel @p0 .LBB2_1-.Ltmp2, $4  }
0x31: {  	[hbm:s7], [sflag:s11] =	dma.local [spmem:s12], $0x2800  }
0x32: {  	_ =	swait.ge [sflag:s13], $0x2800  }
0x33: {  	[sflag:s13] =	ssyncset.done $0x0  }
0x34: {  	[sflag:s13] =	ssyncadd.s32 $0xFFFFD800  }
0x35: {  	_ =	sfence.sel $0x180000  }
0x36: {  	[bflag:$0x0] =	sbarrier.arrive $0xFFFF  }
0x37: {  	p0 =	sne.s32 s0, $0x0;
	_ =	strace $0x9000004D  }
0x38: {  	s0 =	sadd.s32 @!p0 $0x100000, s1;
	[bflag:$0x2] =	sbarrier.arrive $0xFFFF  }
0x39: {  	[sflag:s0] =	ssyncadd.tile.s32 @!p0 $0x1;
	_ =	shalt  }
.Lfunc_end2:
_tile_overlayer_lowered:
.L_overlay_start_2:
0x3a: {  	(tag) =	ssettag $0x2  }
0x3b: {  	s0 =	rddreg [dreg:$0x0];
	s2 =	stileid.u32  }
0x3c: {  	s1 =	rddreg [dreg:$0x1];
	p0 =	sne.s32 s2, $0x0  }
0x3d: {  	s3 =	rddreg [dreg:$0x2];
	[bflag:$0x3] =	sbarrier.arrive $0xFFFF;
	s2 =	simm.s32 @!p0 $0x1C02  }
0x3e: {  	[timem:s3], [sflag:s2] =	dma.local @!p0 [hbm:s0], s1  }
0x3f: {  	s0 =	simm.s32 @!p0 $0x2  }
0x40: {  	_ =	swait.ge @!p0 [sflag:s0], s1  }
0x41: {  	s1 =	ssub.s32 @!p0 $0x0, s1;
	[sflag:s0] =	ssyncset.done @!p0 $0x0  }
0x42: {  	[sflag:s0] =	ssyncadd.s32 @!p0 s1  }
0x43: {  	[bflag:$0x3] =	sbarrier.arrive $0xFFFF  }
0x44: {  	_ =	shalt  }

// kernel: kernel.8.cloned.1.call-start
scs
__scs_entry_jumppad:
0x0: {  	(pc) =	sbr.rel $0x88, $3  }
0x1: {  	(tag) =	ssettag $0x0;
	lr =	simm.s32 $0x1  }
0x2: {  	[smem:$0x3F9B] =	sst lr;
	_ =	strace $0xD0000000  }
0x3: {  	_ = 	snop  }
0x4: {  	_ = 	snop  }
0x5: {  	_ = 	snop  }
0x6: {  	_ = 	snop  }
0x7: {  	_ = 	snop  }
__scs_overlays_trampoline_lowered:
0x8: {  	[smem:$0x3FAA] =	sst s0  }
0x9: {  	[smem:$0x3FAB] =	sst s1  }
0xa: {  	[smem:$0x3FAC] =	sst s2  }
0xb: {  	[smem:$0x3FAD] =	sst s3  }
0xc: {  	[smem:$0x3FAE] =	sst s4  }
0xd: {  	[smem:$0x3FAF] =	sst s5  }
0xe: {  	[smem:$0x3FB0] =	sst s6  }
0xf: {  	[smem:$0x3FB1] =	sst s7  }
0x10: {  	[smem:$0x3FB2] =	sst s8  }
0x11: {  	[smem:$0x3FB3] =	sst s9;
	s0 =	simm.s32 @!p0 $0x0  }
0x12: {  	s1 =	sld [smem:$0x3F99];
	s0 =	simm.s32 @p0 $0x1  }
0x13: {  	[smem:$0x3FB4] =	sst s0;
	s0 =	simm.s32 @!p1 $0x0  }
0x14: {  	s2 =	sld [smem:$0x3F98];
	s0 =	simm.s32 @p1 $0x1  }
0x15: {  	[smem:$0x3FB5] =	sst s0;
	s0 =	simm.s32 @!p2 $0x0  }
0x16: {  	s3 =	sld [smem:$0x3FDB];
	s0 =	simm.s32 @p2 $0x1  }
0x17: {  	s4 =	simm.s32 $0x1BF5;
	[smem:$0x3FB7] =	sst s0  }
0x18: {  	s0 =	sld [smem:$0x3F9A];
	_ =	swait.ge [sflag:s4], $0x0  }
0x19: {  	s7 =	sld [smem:$0x3F9B]  }
0x1a: {  	s8 =	sadd.s32 $0xFFFFE003, lr  }
0x1b: {  	s9 =	sadd.s32 $0xFFFFFEF7, lr;
	s5 =	simm.s32 $0xFFFFFFFF;
	p2 =	slt.u32 s8, $0xFFFFF086  }
0x1c: {  	p1 =	slt.u32 s9, $0xF7A;
	s5 =	simm.s32 @!p2 $0x0  }
0x1d: {  	s5 =	simm.s32 @p1 $0x1;
	p0 =	seq.s32 s7, s2  }
0x1e: {  	s7 =	smul.u32 @!p0 $0xF7A, s2;
	p2 =	seq.s32 @!p0 s5, $0x0  }
0x1f: {  	s9 =	smul.u32 $0xF7A, s1;
	s8 =	simm.s32 @!p0 $0x1BF5;
	p2 =	por !p2, p0  }
0x20: {  	[sflag:s8] =	ssyncset.s32 @!p0 $0xFFFFF086;
	s6 =	sadd.s32 @!p0 s3, s7;
	s7 =	simm.s32 @!p0 $0x108  }
0x21: {  	s3 =	sadd.s32 s3, s9;
	s6 =	sadd.s32 @!p0 $0x88, s6;
	s7 =	simm.s32 @p2 $0x1082  }
0x22: {  	[simem:s7], [sflag:s8] =	dma.local @!p0 [hbm:s6], $0xF7A  }
0x23: {  	s9 =	sor.u32 $0xD0000000, s2;
	s6 =	simm.s32 $0x108;
	_ =	swait.ge @!p0 [sflag:s8], $0x0  }
0x24: {  	s3 =	sadd.s32 $0x88, s3;
	s6 =	simm.s32 @!p1 $0x1082;
	[sflag:s4] =	ssyncset.s32 $0xFFFFF086  }
0x25: {  	[simem:s6], [sflag:s4] =	dma.local [hbm:s3], $0xF7A  }
0x26: {  	[smem:$0x3F9B] =	sst s1;
	(tag) =	ssettag s2;
	_ =	strace s9  }
0x27: {  	s1 =	sld [smem:$0x3FAB]  }
0x28: {  	s2 =	sld [smem:$0x3FAC]  }
0x29: {  	s4 =	sld [smem:$0x3FAE]  }
0x2a: {  	p0 =	seq.s32 s5, $0x0;
	s5 =	sld [smem:$0x3FAF]  }
0x2b: {  	s6 =	sld [smem:$0x3FB0]  }
0x2c: {  	s7 =	sld [smem:$0x3FB1]  }
0x2d: {  	s3 =	simm.s32 $0x108;
	s8 =	sld [smem:$0x3FB2]  }
0x2e: {  	s3 =	simm.s32 @!p0 $0x1082;
	s9 =	sld [smem:$0x3FB3]  }
0x2f: {  	lr =	sadd.s32 s0, s3;
	s0 =	sld [smem:$0x3FAA]  }
0x30: {  	s3 =	sld [smem:$0x3FAD]  }
0x31: {  	[smem:$0x3FB6] =	sst s10  }
0x32: {  	s10 =	sld [smem:$0x3FB4];
	_ =	sdelay $0x3  }
0x33: {  	p0 =	seq.s32 s10, $0x1;
	s10 =	sld [smem:$0x3FB6];
	_ =	sdelay $0x3  }
0x34: {  	[smem:$0x3FB6] =	sst s10  }
0x35: {  	s10 =	sld [smem:$0x3FB5];
	_ =	sdelay $0x3  }
0x36: {  	p1 =	seq.s32 s10, $0x1;
	s10 =	sld [smem:$0x3FB6];
	_ =	sdelay $0x3  }
0x37: {  	[smem:$0x3FB6] =	sst s10  }
0x38: {  	s10 =	sld [smem:$0x3FB7]  }
0x39: {  	_ = 	snop;
	(pc) =	sbr.ind lr, $3  }
0x3a: {  	_ = 	snop  }
0x3b: {  	_ = 	snop  }
0x3c: {  	p2 =	seq.s32 s10, $0x1;
	s10 =	sld [smem:$0x3FB6]  }
0x3d: {  	_ =	shalt  }
0x3e: {  	_ =	shalt  }
0x3f: {  	_ =	shalt  }
0x40: {  	_ =	shalt  }
0x41: {  	_ =	shalt  }
0x42: {  	_ =	shalt  }
0x43: {  	_ =	shalt  }
0x44: {  	_ =	shalt  }
0x45: {  	_ =	shalt  }
0x46: {  	_ =	shalt  }
0x47: {  	_ =	shalt  }
0x48: {  	_ =	shalt  }
0x49: {  	_ =	shalt  }
0x4a: {  	_ =	shalt  }
0x4b: {  	_ =	shalt  }
0x4c: {  	_ =	shalt  }
0x4d: {  	_ =	shalt  }
0x4e: {  	_ =	shalt  }
0x4f: {  	_ =	shalt  }
0x50: {  	_ =	shalt  }
0x51: {  	_ =	shalt  }
0x52: {  	_ =	shalt  }
0x53: {  	_ =	shalt  }
0x54: {  	_ =	shalt  }
0x55: {  	_ =	shalt  }
0x56: {  	_ =	shalt  }
0x57: {  	_ =	shalt  }
0x58: {  	_ =	shalt  }
0x59: {  	_ =	shalt  }
0x5a: {  	_ =	shalt  }
0x5b: {  	_ =	shalt  }
0x5c: {  	_ =	shalt  }
0x5d: {  	_ =	shalt  }
0x5e: {  	_ =	shalt  }
0x5f: {  	_ =	shalt  }
0x60: {  	_ =	shalt  }
0x61: {  	_ =	shalt  }
0x62: {  	_ =	shalt  }
0x63: {  	_ =	shalt  }
0x64: {  	_ =	shalt  }
0x65: {  	_ =	shalt  }
0x66: {  	_ =	shalt  }
0x67: {  	_ =	shalt  }
0x68: {  	_ =	shalt  }
0x69: {  	_ =	shalt  }
0x6a: {  	_ =	shalt  }
0x6b: {  	_ =	shalt  }
0x6c: {  	_ =	shalt  }
0x6d: {  	_ =	shalt  }
0x6e: {  	_ =	shalt  }
0x6f: {  	_ =	shalt  }
0x70: {  	_ =	shalt  }
0x71: {  	_ =	shalt  }
0x72: {  	_ =	shalt  }
0x73: {  	_ =	shalt  }
0x74: {  	_ =	shalt  }
0x75: {  	_ =	shalt  }
0x76: {  	_ =	shalt  }
0x77: {  	_ =	shalt  }
0x78: {  	_ =	shalt  }
0x79: {  	_ =	shalt  }
0x7a: {  	_ =	shalt  }
0x7b: {  	_ =	shalt  }
0x7c: {  	_ =	shalt  }
0x7d: {  	_ =	shalt  }
0x7e: {  	_ =	shalt  }
0x7f: {  	_ =	shalt  }
0x80: {  	_ =	shalt  }
0x81: {  	_ =	shalt  }
0x82: {  	_ =	shalt  }
0x83: {  	_ =	shalt  }
0x84: {  	_ =	shalt  }
0x85: {  	_ =	shalt  }
0x86: {  	_ =	shalt  }
0x87: {  	_ =	shalt  }
.Lfunc_end0:
.L_simem_size_0:
called_computation_lowered:
.L_overlay_start_0:
0x88: {  	s2 =	sld [smem:$0x3FD9]  }
0x89: {  	s3 =	sld [smem:$0x3FFE];
	_ =	sdelay $0x1  }
0x8a: {  	s1 =	srdreg.scid  }
0x8b: {  	s0 =	sand.u32 $0x1, s1  }
0x8c: {  	s16 =	sshll.u32 s0, $0xA;
	s2 =	sadd.s32 s3, s2  }
0x8d: {  	s2 =	sadd.s32 s2, s16  }
0x8e: {  	[smem:$0x3FC2] =	sst s2  }
0x8f: {  	_ = 	snop  }
0x90: {  	(tm) =	ssettm $0x1  }
0x91: {  	s17 =	sld [smem:$0x3FFB];
	_ =	sdelay $0x3  }
0x92: {  	_ =	strace s17  }
0x93: {  	s2 =	sld [smem:$0x3FFC];
	_ =	sdelay $0x3  }
0x94: {  	_ =	strace s2  }
0x95: {  	s2 =	sld [smem:$0x3FFD];
	_ =	sdelay $0x3  }
0x96: {  	_ =	strace s2  }
0x97: {  	_ =	strace $0x8FFFFFFF  }
0x98: {  	s18 =	sld [smem:$0x3FDB];
	_ =	sdelay $0x1  }
0x99: {  	s19 =	simm.s32 $_scs_section_size  }
0x9a: {  	s4 =	simm.s32 $_size__tile_overlayer_lowered;
	s5 =	simm.s32 $_tile_overlayer_lowered  }
0x9b: {  	s22 =	simm.s32 $0x1BFF;
	s21 =	sshll.u32 s5, $0x1;
	s2 =	sadd.s32 s19, s18  }
0x9c: {  	s6 =	simm.s32 $0x0;
	s20 =	sshll.u32 s4, $0x1;
	s4 =	sadd.s32 s21, s2  }
0x9d: {  	[timem:s6], [sflag:s22] =	dma.local [hbm:s4], s20  }
0x9e: {  	_ =	swait.ge [sflag:s22], s20  }
0x9f: {  	s3 =	ssub.s32 $0x0, s20;
	[sflag:s22] =	ssyncset.done $0x0  }
0xa0: {  	[sflag:s22] =	ssyncadd.s32 s3;
	_ =	sdelay $0x1  }
0xa1: {  	s23 =	simm.s32 $0x1B8B  }
0xa2: {  	_ =	swait.ge [sflag:s23], $0x1  }
0xa3: {  	[sflag:s23] =	ssyncset.done $0x0  }
0xa4: {  	s25 =	simm.s32 $0x1B8E;
	s24 =	sld [smem:$0x3FFE];
	[sflag:s23] =	ssyncadd.s32 $0xFFFFFFFF  }
0xa5: {  	s26 =	simm.s32 $execute0_lowered;
	[smem:$0x3FD2] =	sst s25  }
0xa6: {  	s4 =	sshll.u32 s26, $0x1;
	_ =	strace $0x80000046;
	[dreg:$0x1] =	wrdreg $0xFFFFFFFF  }
0xa7: {  	s28 =	simm.s32 $_size_execute0_lowered;
	s2 =	sadd.s32 s2, s4;
	[dreg:$0x0] =	wrdreg $0x0  }
0xa8: {  	s4 =	sshll.u32 s28, $0x1;
	[dreg:$0x2] =	wrdreg s2  }
0xa9: {  	[dreg:$0x3] =	wrdreg s4  }
0xaa: {  	[dreg:$0x4] =	wrdreg $0xC0  }
0xab: {  	_ =	task [dreg:s6], $0x5FFFF  }
0xac: {  	[dreg:$0x1] =	wrdreg $0xFFFFFFFF  }
0xad: {  	[dreg:$0x0] =	wrdreg $0x60  }
0xae: {  	[dreg:$0x2] =	wrdreg s24  }
0xaf: {  	[dreg:$0x3] =	wrdreg $0x0  }
0xb0: {  	[dreg:$0x4] =	wrdreg $0x9  }
0xb1: {  	_ =	task.clear_ibuf [dreg:s6], $0x5FFFF;
	_ =	strace $0x90000046  }
0xb2: {  	s29 =	simm.s32 $0x9;
	_ =	strace $0x80000048  }
0xb3: {  	_ =	swait.ge [sflag:s29], $0x1  }
0xb4: {  	[sflag:s29] =	ssyncadd.s32 $0xFFFFFFFF  }
0xb5: {  	_ =	strace $0x90000048  }
0xb6: {  	_ =	sfence  }
0xb7: {  	s30 =	sld [smem:$0x0];
	_ =	sdelay $0x2  }
0xb8: {  	s31 =	sshll.u32 s1, $0xD;
	s1 =	sshrl.u32 s1, $0x2  }
0xb9: {  	s3 =	sand.u32 $0x4000, s31;
	s1 =	sadd.s32 s1, s30  }
0xba: {  	s0 =	sor.u32 s3, s0;
	s1 =	sshll.u32 s1, $0x11  }
0xbb: {  	s0 =	sor.u32 s1, s0  }
0xbc: {  	s0 =	sadd.s32 $0x8F2B, s0  }
0xbd: {  	[sflag:s0] =	ssyncadd.remote.s32 $0x1  }
0xbe: {  	_ =	sfence.sel $0xFFFF  }
0xbf: {  	[dreg:$0x0] =	wrdreg $0xFFFFFFFF;
	(pc) =	sbr.abs _section_cstart, $3  }
0xc0: {  	[dreg:$0x1] =	wrdreg $0xFFFFFFFF  }
0xc1: {  	_ =	task.clear_ibuf [dreg:s6], $0x2FFFF;
	_ =	strace $0x9FFFFFFF  }
0xc2: {  	(tm) =	ssettm $0x7FFFFFFF  }
0xc3: {  	_ =	shalt  }
tec
execute0_lowered:
.L_overlay_start_1:
0x0: {  	(tag) =	ssettag $0x1  }
0x1: {  	s5 =	rddreg [dreg:$0x0]  }
0x2: {  	s0 =	srdreg.scid;
	s2 =	rddreg [dreg:$0x1]  }
0x3: {  	s1 =	rddreg [dreg:$0x2];
	s6 =	sand.u32 $0x1, s0  }
0x4: {  	s0 =	stileid.u32;
	s4 =	smul.u32 $0x28000, s6  }
0x5: {  	s3 =	simm.s32 $0x0;
	s14 =	simm.s32 $0x80;
	s7 =	smul.u32 $0x2800, s0  }
0x6: {  	s15 =	simm.s32 $0x0;
	[smem:$0x7FF] =	sst s3;
	s26 =	smul.u32 $0x14000, s0  }
0x7: {  	s8 =	smul.u32 $0x140000, s6;
	_ =	strace $0x80000047;
	s6 =	ssub.s32 $0x2, s6  }
0x8: {  	s28 =	smul.u32 $0x50000, s0;
	s31 =	sshll.u32 s0, $0x6;
	s29 =	sshrl.u32 s6, $0x1  }
0x9: {  	s4 =	sadd.s32 s7, s4;
	s10 =	sshrl.u32 s26, $0x3;
	s7 =	sadd.s32 s26, s8  }
0xa: {  	s12 =	ssub.s32 s6, s29;
	s30 =	sshrl.u32 s28, $0x2;
	s6 =	sor.u32 $0x1C01, s31  }
0xb: {  	s4 =	sshrl.u32 s4, $0x3;
	s7 =	sshrl.u32 s7, $0x3;
	s10 =	sadd.s32 s10, s5  }
0xc: {  	s13 =	sadd.s32 s30, s2;
	s9 =	sadd.s32 s4, s5;
	s4 =	sadd.s32 $0xB400, s5  }
0xd: {  	s11 =	sadd.s32 s7, s5;
	s5 =	sadd.s32 $0xBC00, s10;
	s10 =	sshrl.u32 s13, $0x3  }
0xe: {  	s13 =	simm.s32 $0x16800;
	s7 =	sadd.s32 $0x1400, s9;
	s8 =	sadd.s32 $0x33C00, s11  }
0xf: {  	s9 =	smax.u32 s12, $0x1;
	s11 =	simm.s32 $0x1;
	s12 =	simm.s32 $0x14000  }
.LBB2_1:
0x10: {  	[spmem:s10], [sflag:s6] =	dma.local [hbm:s5], $0x2800  }
0x11: {  	_ =	swait.ge [sflag:s11], $0x2800  }
0x12: {  	[sflag:s11] =	ssyncset.done $0x0  }
0x13: {  	[sflag:s11] =	ssyncadd.s32 $0xFFFFD800  }
0x14: {  	[tilespmem:s12], [sflag:$0x1] =	stream.linear.gather [hbm4b:s7+s3], $0x2780, $0x38;
	[tilespmem:$0x1A800] =	vst v63  }
0x15: {  	_ =	swait.ge [sflag:s11], $0x2780  }
0x16: {  	[sflag:s11] =	ssyncset.done $0x0  }
0x17: {  	[sflag:s11] =	ssyncadd.s32 $0xFFFFD880  }
0x18: {  	[tilespmem:s13], [sflag:$0x1] =	stream.linear.gather [hbm4b:s4+s3], $0x4000, $0x38;
	[tilespmem:$0x1A800] =	vst v63  }
0x19: {  	_ =	swait.ge [sflag:s11], $0x4000  }
0x1a: {  	[sflag:s11] =	ssyncset.done $0x0  }
0x1b: {  	[sflag:s11] =	ssyncadd.s32 $0xFFFFC000  }
0x1c: {  	s16 =	simm.s32 $0x14000;
	[bflag:$0x0] =	sbarrier.arrive $0xFFFF  }
0x1d: {  	[spmem:s2] =	stream.indirect.scatter.add.f32 [tilespmem:s13], [sflag:$0x1], $0x80, s16, s14, $0xb8;
	[tilespmem:$0x1A800] =	vst v63  }
0x1e: {  	s16 =	simm.s32 $0x200;
	_ =	swait.ge [sflag:s11], $0x4000  }
.LBB2_2:
0x1f: {  	s17 =	sshra.s32 s16, $0x2;
	[sflag:s11] =	ssyncset.done $0x0;
	p0 =	sne.s32 s16, $0x9C00  }
.Ltmp0:
0x20: {  	s17 =	sadd.s32 $0x14000, s17;
	[sflag:s11] =	ssyncadd.s32 $0xFFFFC000;
	(pc) =	sbr.rel @p0 .LBB2_2-.Ltmp0, $3  }
0x21: {  	[spmem:s2] =	stream.indirect.scatter.add.f32 [tilespmem:s13], [sflag:$0x1], $0x80, s17, s14, $0xb8;
	[tilespmem:$0x1A800] =	vst v63  }
0x22: {  	s16 =	sadd.s32 $0x200, s16;
	_ =	sdelay $0x1  }
0x23: {  	_ =	swait.ge [sflag:s11], $0x4000  }
0x24: {  	[sflag:s11] =	ssyncset.done $0x0;
	s15 =	sadd.s32 $0x1, s15  }
0x25: {  	[sflag:s11] =	ssyncadd.s32 $0xFFFFC000;
	p0 =	sne.s32 s15, s9  }
.Ltmp1:
0x26: {  	[bflag:$0x0] =	sbarrier.arrive $0xFFFF;
	(pc) =	sbr.rel @p0 .LBB2_1-.Ltmp1, $4  }
0x27: {  	[hbm:s8], [sflag:s6] =	dma.local [spmem:s10], $0x2800  }
0x28: {  	_ =	swait.ge [sflag:s11], $0x2800  }
0x29: {  	[sflag:s11] =	ssyncset.done $0x0  }
0x2a: {  	[sflag:s11] =	ssyncadd.s32 $0xFFFFD800  }
0x2b: {  	_ =	sfence.sel $0x180000  }
0x2c: {  	[bflag:$0x0] =	sbarrier.arrive $0xFFFF  }
0x2d: {  	p0 =	sne.s32 s0, $0x0;
	_ =	strace $0x90000047  }
0x2e: {  	s0 =	sadd.s32 @!p0 $0x100000, s1;
	[bflag:$0x2] =	sbarrier.arrive $0xFFFF  }
0x2f: {  	[sflag:s0] =	ssyncadd.tile.s32 @!p0 $0x1;
	_ =	shalt  }
.Lfunc_end2:
_tile_overlayer_lowered:
.L_overlay_start_2:
0x30: {  	(tag) =	ssettag $0x2  }
0x31: {  	s0 =	rddreg [dreg:$0x0];
	s2 =	stileid.u32  }
0x32: {  	s1 =	rddreg [dreg:$0x1];
	p0 =	sne.s32 s2, $0x0  }
0x33: {  	s3 =	rddreg [dreg:$0x2];
	[bflag:$0x3] =	sbarrier.arrive $0xFFFF;
	s2 =	simm.s32 @!p0 $0x1C01  }
0x34: {  	[timem:s3], [sflag:s2] =	dma.local @!p0 [hbm:s0], s1  }
0x35: {  	s0 =	simm.s32 @!p0 $0x1  }
0x36: {  	_ =	swait.ge @!p0 [sflag:s0], s1  }
0x37: {  	s1 =	ssub.s32 @!p0 $0x0, s1;
	[sflag:s0] =	ssyncset.done @!p0 $0x0  }
0x38: {  	[sflag:s0] =	ssyncadd.s32 @!p0 s1  }
0x39: {  	[bflag:$0x3] =	sbarrier.arrive $0xFFFF  }
0x3a: {  	_ =	shalt  }

</sc_bundles>
